<compile_context>
chip_gen: v7x
topology: tpu7x:2x2x1
jax: 0.10.2.dev20260603
libtpu: 0.0.44.dev20260713+nightly
codegen_flags: <defaults>
</compile_context>

<pallas_src>
import functools

import jax
import jax.numpy as jnp
from jax import lax
from jax.experimental import pallas as pl
from jax.experimental.pallas import tpu as pltpu
from jax.experimental.pallas import tpu_sc as plsc

N_CORES = 2
N_SUB = 16
EDGE_BATCH = 80
ROW_CHUNK = 80


def _gcn_body(n_nodes, n_batches, x, src3, dst3, out, xsh, hsh, src_v,
              dst_v, rows0, rows1, xstage, semg0, semg1, sems):
  c = lax.axis_index("c")
  s = lax.axis_index("s")
  dh = xsh.shape[1]
  col = pl.multiple_of(c * dh, dh)
  n_chunks = n_nodes // ROW_CHUNK

  def for_my_chunks(fn):
    def step(i, carry):
      t = i * N_SUB + s

      @pl.when(t < n_chunks)
      def _():
        fn(pl.multiple_of(t * ROW_CHUNK, ROW_CHUNK))

      return carry

    lax.fori_loop(0, (n_chunks + N_SUB - 1) // N_SUB, step, 0)

  def cvt_rows(i, carry):
    for u in range(5):
      r = i * 5 + u
      for k in range(dh // 32):
        a = xstage[r, pl.ds(k * 32, 16)]
        b = xstage[r, pl.ds(k * 32 + 16, 16)]
        rows0[r, pl.ds(k * 32, 32)] = plsc.pack(
            a, b, format=plsc.PackFormat.INTERLEAVED)
    return carry

  def stage(off):
    pltpu.sync_copy(x.at[pl.ds(off, ROW_CHUNK), pl.ds(col, dh)], xstage)
    lax.fori_loop(0, ROW_CHUNK // 5, cvt_rows, 0)
    pltpu.sync_copy(rows0.at[pl.ds(0, ROW_CHUNK)], xsh.at[pl.ds(off, ROW_CHUNK)])

  for_my_chunks(stage)

  def zrow(r, carry):
    for k in range(rows0.shape[1] // 32):
      rows0[r, pl.ds(k * 32, 32)] = jnp.zeros((32,), jnp.bfloat16)
    return carry

  lax.fori_loop(0, rows0.shape[0], zrow, 0)
  for_my_chunks(lambda off: pltpu.sync_copy(
      rows0.at[pl.ds(0, ROW_CHUNK)], hsh.at[pl.ds(off, ROW_CHUNK)]))

  pltpu.sync_copy(src3.at[s], src_v)
  pltpu.sync_copy(dst3.at[s], dst_v)

  plsc.subcore_barrier()

  pltpu.async_copy(xsh.at[src_v.at[0]], rows0, semg0)
  pltpu.async_copy(xsh.at[src_v.at[1]], rows1, semg1)

  def batch_pair(i, carry):
    j = i * 2
    for b, rows_b, semg_b in ((0, rows0, semg0), (1, rows1, semg1)):
      jb = j + b
      pltpu.make_async_copy(xsh.at[src_v.at[jb]], rows_b, semg_b).wait()
      pltpu.async_copy(rows_b, hsh.at[dst_v.at[jb]], sems, add=True).wait()
      @pl.when(jb + 2 < n_batches)
      def _():
        pltpu.async_copy(xsh.at[src_v.at[jb + 2]], rows_b, semg_b)

    return carry

  lax.fori_loop(0, n_batches // 2, batch_pair, 0)

  plsc.subcore_barrier()

  def uncvt_rows(i, carry):
    for u in range(5):
      r = i * 5 + u
      for k in range(dh // 32):
        ab = rows0[r, pl.ds(k * 32, 32)]
        a, b = plsc.unpack(ab, format=plsc.PackFormat.INTERLEAVED)
        xstage[r, pl.ds(k * 32, 16)] = a
        xstage[r, pl.ds(k * 32 + 16, 16)] = b
    return carry

  def writeback(off):
    pltpu.sync_copy(hsh.at[pl.ds(off, ROW_CHUNK)], rows0.at[pl.ds(0, ROW_CHUNK)])
    lax.fori_loop(0, ROW_CHUNK // 5, uncvt_rows, 0)
    pltpu.sync_copy(xstage, out.at[pl.ds(off, ROW_CHUNK), pl.ds(col, dh)])

  for_my_chunks(writeback)


def kernel(x, edge_index):
  n_nodes, d = x.shape
  e = edge_index.shape[1]
  dh = d // N_CORES
  e_per_sub = e // N_SUB
  n_batches = e_per_sub // EDGE_BATCH

  src3 = edge_index[0].reshape(N_SUB, n_batches, EDGE_BATCH)
  dst3 = edge_index[1].reshape(N_SUB, n_batches, EDGE_BATCH)

  mesh = plsc.VectorSubcoreMesh(core_axis_name="c", subcore_axis_name="s")

  run = pl.kernel(
      functools.partial(_gcn_body, n_nodes, n_batches),
      out_type=jax.ShapeDtypeStruct((n_nodes, d), jnp.float32),
      mesh=mesh,
      scratch_types=[
          pltpu.VMEM_SHARED((n_nodes, dh), jnp.bfloat16),
          pltpu.VMEM_SHARED((n_nodes, dh), jnp.bfloat16),
          pltpu.VMEM((n_batches, EDGE_BATCH), jnp.int32),
          pltpu.VMEM((n_batches, EDGE_BATCH), jnp.int32),
          pltpu.VMEM((EDGE_BATCH, dh), jnp.bfloat16),
          pltpu.VMEM((EDGE_BATCH, dh), jnp.bfloat16),
          pltpu.VMEM((ROW_CHUNK, dh), jnp.float32),
          pltpu.SemaphoreType.DMA,
          pltpu.SemaphoreType.DMA,
          pltpu.SemaphoreType.DMA,
      ],
      compiler_params=pltpu.CompilerParams(
          use_tc_tiling_on_sc=False,
          needs_layout_passes=False,
      ),
  )
  return run(x, src3, dst3)

# --- scband reference (transcript-rebuilt; emitter-appended) ---
"""Pipeline reference for scband-gcn-11141145166375 (READ-ONLY COPY).

The authoritative reference and input builder live on the scoring server;
editing this copy changes nothing except your own understanding.
"""

import jax, jax.numpy as jnp
import numpy as np

N_NODES = 10000
N_EDGES = 320000
D_FEAT = 128


def setup_inputs(seed: int = 0) -> dict:
    key = jax.random.key(seed)
    k1, k2 = jax.random.split(key)
    x = jax.random.normal(k1, (N_NODES, D_FEAT), dtype=jnp.float32)
    edge_index = jax.random.randint(k2, (2, N_EDGES), 0, N_NODES, dtype=jnp.int32)
    return {"x": x, "edge_index": edge_index}


def reference(x, edge_index):
    # Faithful translation of DGL g.pull(func=[copy_u('h','m'), sum('m','h')]):
    # gather source-node features along each edge, then scatter-add (sum-reduce)
    # messages into destination nodes. Returns g.ndata.pop('h').
    src = edge_index[0]
    dst = edge_index[1]
    messages = jnp.take(x, src, axis=0)          # gather: [E, d]
    h = jax.ops.segment_sum(messages, dst, num_segments=x.shape[0])  # scatter-add: [N, d]
    return h

if __name__ == "__main__":
    import jax
    _d = setup_inputs()
    print(jax.jit(kernel)(*tuple(_d.values())))

</pallas_src>

<mosaic_0001>
#map = affine_map<(d0, d1) -> (0, 0)>
#map1 = affine_map<(d0, d1) -> (0, 0, 0)>
module attributes {stable_mosaic.version = 14 : i64} {
  func.func @_gcn_body(%arg0: i32, %arg1: i32, %arg2: memref<10000x128xf32, #tpu.memory_space<hbm>>, %arg3: memref<16x250x80xi32, #tpu.memory_space<hbm>>, %arg4: memref<16x250x80xi32, #tpu.memory_space<hbm>>, %arg5: memref<10000x128xf32, #tpu.memory_space<hbm>>, %arg6: memref<10000x64xbf16, #tpu.memory_space<vmem_shared>>, %arg7: memref<10000x64xbf16, #tpu.memory_space<vmem_shared>>, %arg8: memref<250x80xi32, #tpu.memory_space<vmem>>, %arg9: memref<250x80xi32, #tpu.memory_space<vmem>>, %arg10: memref<80x64xbf16, #tpu.memory_space<vmem>>, %arg11: memref<80x64xbf16, #tpu.memory_space<vmem>>, %arg12: memref<80x64xf32, #tpu.memory_space<vmem>>, %arg13: memref<!tpu.dma_semaphore, #tpu.memory_space<semaphore_mem>>, %arg14: memref<!tpu.dma_semaphore, #tpu.memory_space<semaphore_mem>>, %arg15: memref<!tpu.dma_semaphore, #tpu.memory_space<semaphore_mem>>) attributes {dimension_semantics = [#tpu.dimension_semantics<core_parallel>, #tpu.dimension_semantics<subcore_parallel>], iteration_bounds = array<i64: 2, 16>, scalar_prefetch = 0 : i64, scratch_operands = 10 : i64, tpu.core_type = #tpu.core_type<sc_vector_subcore>, window_params = [{transform_indices = #map}, {transform_indices = #map1}, {transform_indices = #map1}, {transform_indices = #map}]} {
    %mul3A = arith.constant 64 : i32
    %mul3A_0 = arith.muli %arg0, %mul3A : i32
    %multiple_of3A = tpu.assume_multiple %mul3A_0, 64 : i32
    %scan3A = arith.constant 0 : i32
    %scan3A_1 = arith.constant 0 : i32
    %scan3A_2 = arith.constant 8 : i32
    %scan3A_3 = arith.addi %scan3A_1, %scan3A_2 : i32
    %scan3A_4 = arith.constant 1 : i32
    scf.for %scan3A_44 = %scan3A_1 to %scan3A_3 step %scan3A_4  : i32 {
      %mul3A_45 = arith.constant 16 : i32
      %mul3A_46 = arith.muli %scan3A_44, %mul3A_45 : i32
      %add3A = arith.addi %mul3A_46, %arg1 : i32
      %lt3A = arith.constant 125 : i32
      %lt3A_47 = arith.cmpi slt, %add3A, %lt3A : i32
      %convert_element_type3A = arith.extui %lt3A_47 : i1 to i32
      %cond3A = arith.constant 0 : i32
      %cond3A_48 = arith.cmpi ne, %convert_element_type3A, %cond3A : i32
      scf.if %cond3A_48 {
        %mul3A_49 = arith.constant 80 : i32
        %mul3A_50 = arith.muli %add3A, %mul3A_49 : i32
        %multiple_of3A_51 = tpu.assume_multiple %mul3A_50, 80 : i32
        "tpu.region"() ({
          %run_scoped3A = tpu.sem_alloc : memref<!tpu.dma_semaphore, #tpu.memory_space<semaphore_mem>>
          %dma_start3A_58 = tpu.memref_slice %arg2[%multiple_of3A_51, %multiple_of3A] : memref<10000x128xf32, #tpu.memory_space<hbm>> -> memref<80x64xf32, #tpu.memory_space<hbm>>
          %dma_start3A_59 = tpu.memref_slice %arg2[%multiple_of3A_51, %multiple_of3A] : memref<10000x128xf32, #tpu.memory_space<hbm>> -> memref<80x64xf32, #tpu.memory_space<hbm>>
          tpu.enqueue_dma source(%dma_start3A_59 : memref<80x64xf32, #tpu.memory_space<hbm>>) target(%arg12 : memref<80x64xf32, #tpu.memory_space<vmem>>) target_semaphore(%run_scoped3A : memref<!tpu.dma_semaphore, #tpu.memory_space<semaphore_mem>>)
          %dma_wait3A = tpu.memref_slice %arg2[%multiple_of3A_51, %multiple_of3A] : memref<10000x128xf32, #tpu.memory_space<hbm>> -> memref<80x64xf32, #tpu.memory_space<hbm>>
          %dma_wait3A_60 = tpu.memref_slice %arg2[%multiple_of3A_51, %multiple_of3A] : memref<10000x128xf32, #tpu.memory_space<hbm>> -> memref<80x64xf32, #tpu.memory_space<hbm>>
          tpu.wait_dma2 semaphore(%run_scoped3A : memref<!tpu.dma_semaphore, #tpu.memory_space<semaphore_mem>>) src(%dma_wait3A_60 : memref<80x64xf32, #tpu.memory_space<hbm>>) dst(%arg12 : memref<80x64xf32, #tpu.memory_space<vmem>>)
          tpu.yield
        }) : () -> ()
        %scan3A_52 = arith.constant 0 : i32
        %scan3A_53 = arith.constant 0 : i32
        %scan3A_54 = arith.constant 16 : i32
        %scan3A_55 = arith.addi %scan3A_53, %scan3A_54 : i32
        %scan3A_56 = arith.constant 1 : i32
        scf.for %scan3A_58 = %scan3A_53 to %scan3A_55 step %scan3A_56  : i32 {
          %mul3A_59 = arith.constant 5 : i32
          %mul3A_60 = arith.muli %scan3A_58, %mul3A_59 : i32
          %add3A_61 = arith.constant 0 : i32
          %add3A_62 = arith.addi %mul3A_60, %add3A_61 : i32
          %get3A = arith.index_cast %add3A_62 : i32 to index
          %get3A_63 = arith.constant 0 : index
          %get3A_64 = tpu.vector_load %arg12[%get3A, %get3A_63] {strides = array<i32>} : memref<80x64xf32, #tpu.memory_space<vmem>>, vector<16xf32>,
          %get3A_65 = arith.index_cast %add3A_62 : i32 to index
          %get3A_66 = arith.constant 16 : index
          %get3A_67 = tpu.vector_load %arg12[%get3A_65, %get3A_66] {strides = array<i32>} : memref<80x64xf32, #tpu.memory_space<vmem>>, vector<16xf32>,
          %pack3A = tpu.pack_subelements %get3A_64, %get3A_67 {pack_format = #tpu.pack_format<interleaved>, positions = array<i32: 0, 1>} : vector<16xf32>, vector<16xf32> -> vector<32xbf16>
          %swap3A = arith.index_cast %add3A_62 : i32 to index
          %swap3A_68 = arith.constant 0 : index
          %swap3A_69 = tpu.vector_load %arg10[%swap3A, %swap3A_68] {strides = array<i32>} : memref<80x64xbf16, #tpu.memory_space<vmem>>, vector<32xbf16>,
          tpu.vector_store %arg10[%swap3A, %swap3A_68], %pack3A {strides = array<i32>} : memref<80x64xbf16, #tpu.memory_space<vmem>>, vector<32xbf16>,
          %get3A_70 = arith.index_cast %add3A_62 : i32 to index
          %get3A_71 = arith.constant 32 : index
          %get3A_72 = tpu.vector_load %arg12[%get3A_70, %get3A_71] {strides = array<i32>} : memref<80x64xf32, #tpu.memory_space<vmem>>, vector<16xf32>,
          %get3A_73 = arith.index_cast %add3A_62 : i32 to index
          %get3A_74 = arith.constant 48 : index
          %get3A_75 = tpu.vector_load %arg12[%get3A_73, %get3A_74] {strides = array<i32>} : memref<80x64xf32, #tpu.memory_space<vmem>>, vector<16xf32>,
          %pack3A_76 = tpu.pack_subelements %get3A_72, %get3A_75 {pack_format = #tpu.pack_format<interleaved>, positions = array<i32: 0, 1>} : vector<16xf32>, vector<16xf32> -> vector<32xbf16>
          %swap3A_77 = arith.index_cast %add3A_62 : i32 to index
          %swap3A_78 = arith.constant 32 : index
          %swap3A_79 = tpu.vector_load %arg10[%swap3A_77, %swap3A_78] {strides = array<i32>} : memref<80x64xbf16, #tpu.memory_space<vmem>>, vector<32xbf16>,
          tpu.vector_store %arg10[%swap3A_77, %swap3A_78], %pack3A_76 {strides = array<i32>} : memref<80x64xbf16, #tpu.memory_space<vmem>>, vector<32xbf16>,
          %mul3A_80 = arith.constant 5 : i32
          %mul3A_81 = arith.muli %scan3A_58, %mul3A_80 : i32
          %add3A_82 = arith.constant 1 : i32
          %add3A_83 = arith.addi %mul3A_81, %add3A_82 : i32
          %get3A_84 = arith.index_cast %add3A_83 : i32 to index
          %get3A_85 = arith.constant 0 : index
          %get3A_86 = tpu.vector_load %arg12[%get3A_84, %get3A_85] {strides = array<i32>} : memref<80x64xf32, #tpu.memory_space<vmem>>, vector<16xf32>,
          %get3A_87 = arith.index_cast %add3A_83 : i32 to index
          %get3A_88 = arith.constant 16 : index
          %get3A_89 = tpu.vector_load %arg12[%get3A_87, %get3A_88] {strides = array<i32>} : memref<80x64xf32, #tpu.memory_space<vmem>>, vector<16xf32>,
          %pack3A_90 = tpu.pack_subelements %get3A_86, %get3A_89 {pack_format = #tpu.pack_format<interleaved>, positions = array<i32: 0, 1>} : vector<16xf32>, vector<16xf32> -> vector<32xbf16>
          %swap3A_91 = arith.index_cast %add3A_83 : i32 to index
          %swap3A_92 = arith.constant 0 : index
          %swap3A_93 = tpu.vector_load %arg10[%swap3A_91, %swap3A_92] {strides = array<i32>} : memref<80x64xbf16, #tpu.memory_space<vmem>>, vector<32xbf16>,
          tpu.vector_store %arg10[%swap3A_91, %swap3A_92], %pack3A_90 {strides = array<i32>} : memref<80x64xbf16, #tpu.memory_space<vmem>>, vector<32xbf16>,
          %get3A_94 = arith.index_cast %add3A_83 : i32 to index
          %get3A_95 = arith.constant 32 : index
          %get3A_96 = tpu.vector_load %arg12[%get3A_94, %get3A_95] {strides = array<i32>} : memref<80x64xf32, #tpu.memory_space<vmem>>, vector<16xf32>,
          %get3A_97 = arith.index_cast %add3A_83 : i32 to index
          %get3A_98 = arith.constant 48 : index
          %get3A_99 = tpu.vector_load %arg12[%get3A_97, %get3A_98] {strides = array<i32>} : memref<80x64xf32, #tpu.memory_space<vmem>>, vector<16xf32>,
          %pack3A_100 = tpu.pack_subelements %get3A_96, %get3A_99 {pack_format = #tpu.pack_format<interleaved>, positions = array<i32: 0, 1>} : vector<16xf32>, vector<16xf32> -> vector<32xbf16>
          %swap3A_101 = arith.index_cast %add3A_83 : i32 to index
          %swap3A_102 = arith.constant 32 : index
          %swap3A_103 = tpu.vector_load %arg10[%swap3A_101, %swap3A_102] {strides = array<i32>} : memref<80x64xbf16, #tpu.memory_space<vmem>>, vector<32xbf16>,
          tpu.vector_store %arg10[%swap3A_101, %swap3A_102], %pack3A_100 {strides = array<i32>} : memref<80x64xbf16, #tpu.memory_space<vmem>>, vector<32xbf16>,
          %mul3A_104 = arith.constant 5 : i32
          %mul3A_105 = arith.muli %scan3A_58, %mul3A_104 : i32
          %add3A_106 = arith.constant 2 : i32
          %add3A_107 = arith.addi %mul3A_105, %add3A_106 : i32
          %get3A_108 = arith.index_cast %add3A_107 : i32 to index
          %get3A_109 = arith.constant 0 : index
          %get3A_110 = tpu.vector_load %arg12[%get3A_108, %get3A_109] {strides = array<i32>} : memref<80x64xf32, #tpu.memory_space<vmem>>, vector<16xf32>,
          %get3A_111 = arith.index_cast %add3A_107 : i32 to index
          %get3A_112 = arith.constant 16 : index
          %get3A_113 = tpu.vector_load %arg12[%get3A_111, %get3A_112] {strides = array<i32>} : memref<80x64xf32, #tpu.memory_space<vmem>>, vector<16xf32>,
          %pack3A_114 = tpu.pack_subelements %get3A_110, %get3A_113 {pack_format = #tpu.pack_format<interleaved>, positions = array<i32: 0, 1>} : vector<16xf32>, vector<16xf32> -> vector<32xbf16>
          %swap3A_115 = arith.index_cast %add3A_107 : i32 to index
          %swap3A_116 = arith.constant 0 : index
          %swap3A_117 = tpu.vector_load %arg10[%swap3A_115, %swap3A_116] {strides = array<i32>} : memref<80x64xbf16, #tpu.memory_space<vmem>>, vector<32xbf16>,
          tpu.vector_store %arg10[%swap3A_115, %swap3A_116], %pack3A_114 {strides = array<i32>} : memref<80x64xbf16, #tpu.memory_space<vmem>>, vector<32xbf16>,
          %get3A_118 = arith.index_cast %add3A_107 : i32 to index
          %get3A_119 = arith.constant 32 : index
          %get3A_120 = tpu.vector_load %arg12[%get3A_118, %get3A_119] {strides = array<i32>} : memref<80x64xf32, #tpu.memory_space<vmem>>, vector<16xf32>,
          %get3A_121 = arith.index_cast %add3A_107 : i32 to index
          %get3A_122 = arith.constant 48 : index
          %get3A_123 = tpu.vector_load %arg12[%get3A_121, %get3A_122] {strides = array<i32>} : memref<80x64xf32, #tpu.memory_space<vmem>>, vector<16xf32>,
          %pack3A_124 = tpu.pack_subelements %get3A_120, %get3A_123 {pack_format = #tpu.pack_format<interleaved>, positions = array<i32: 0, 1>} : vector<16xf32>, vector<16xf32> -> vector<32xbf16>
          %swap3A_125 = arith.index_cast %add3A_107 : i32 to index
          %swap3A_126 = arith.constant 32 : index
          %swap3A_127 = tpu.vector_load %arg10[%swap3A_125, %swap3A_126] {strides = array<i32>} : memref<80x64xbf16, #tpu.memory_space<vmem>>, vector<32xbf16>,
          tpu.vector_store %arg10[%swap3A_125, %swap3A_126], %pack3A_124 {strides = array<i32>} : memref<80x64xbf16, #tpu.memory_space<vmem>>, vector<32xbf16>,
          %mul3A_128 = arith.constant 5 : i32
          %mul3A_129 = arith.muli %scan3A_58, %mul3A_128 : i32
          %add3A_130 = arith.constant 3 : i32
          %add3A_131 = arith.addi %mul3A_129, %add3A_130 : i32
          %get3A_132 = arith.index_cast %add3A_131 : i32 to index
          %get3A_133 = arith.constant 0 : index
          %get3A_134 = tpu.vector_load %arg12[%get3A_132, %get3A_133] {strides = array<i32>} : memref<80x64xf32, #tpu.memory_space<vmem>>, vector<16xf32>,
          %get3A_135 = arith.index_cast %add3A_131 : i32 to index
          %get3A_136 = arith.constant 16 : index
          %get3A_137 = tpu.vector_load %arg12[%get3A_135, %get3A_136] {strides = array<i32>} : memref<80x64xf32, #tpu.memory_space<vmem>>, vector<16xf32>,
          %pack3A_138 = tpu.pack_subelements %get3A_134, %get3A_137 {pack_format = #tpu.pack_format<interleaved>, positions = array<i32: 0, 1>} : vector<16xf32>, vector<16xf32> -> vector<32xbf16>
          %swap3A_139 = arith.index_cast %add3A_131 : i32 to index
          %swap3A_140 = arith.constant 0 : index
          %swap3A_141 = tpu.vector_load %arg10[%swap3A_139, %swap3A_140] {strides = array<i32>} : memref<80x64xbf16, #tpu.memory_space<vmem>>, vector<32xbf16>,
          tpu.vector_store %arg10[%swap3A_139, %swap3A_140], %pack3A_138 {strides = array<i32>} : memref<80x64xbf16, #tpu.memory_space<vmem>>, vector<32xbf16>,
          %get3A_142 = arith.index_cast %add3A_131 : i32 to index
          %get3A_143 = arith.constant 32 : index
          %get3A_144 = tpu.vector_load %arg12[%get3A_142, %get3A_143] {strides = array<i32>} : memref<80x64xf32, #tpu.memory_space<vmem>>, vector<16xf32>,
          %get3A_145 = arith.index_cast %add3A_131 : i32 to index
          %get3A_146 = arith.constant 48 : index
          %get3A_147 = tpu.vector_load %arg12[%get3A_145, %get3A_146] {strides = array<i32>} : memref<80x64xf32, #tpu.memory_space<vmem>>, vector<16xf32>,
          %pack3A_148 = tpu.pack_subelements %get3A_144, %get3A_147 {pack_format = #tpu.pack_format<interleaved>, positions = array<i32: 0, 1>} : vector<16xf32>, vector<16xf32> -> vector<32xbf16>
          %swap3A_149 = arith.index_cast %add3A_131 : i32 to index
          %swap3A_150 = arith.constant 32 : index
          %swap3A_151 = tpu.vector_load %arg10[%swap3A_149, %swap3A_150] {strides = array<i32>} : memref<80x64xbf16, #tpu.memory_space<vmem>>, vector<32xbf16>,
          tpu.vector_store %arg10[%swap3A_149, %swap3A_150], %pack3A_148 {strides = array<i32>} : memref<80x64xbf16, #tpu.memory_space<vmem>>, vector<32xbf16>,
          %mul3A_152 = arith.constant 5 : i32
          %mul3A_153 = arith.muli %scan3A_58, %mul3A_152 : i32
          %add3A_154 = arith.constant 4 : i32
          %add3A_155 = arith.addi %mul3A_153, %add3A_154 : i32
          %get3A_156 = arith.index_cast %add3A_155 : i32 to index
          %get3A_157 = arith.constant 0 : index
          %get3A_158 = tpu.vector_load %arg12[%get3A_156, %get3A_157] {strides = array<i32>} : memref<80x64xf32, #tpu.memory_space<vmem>>, vector<16xf32>,
          %get3A_159 = arith.index_cast %add3A_155 : i32 to index
          %get3A_160 = arith.constant 16 : index
          %get3A_161 = tpu.vector_load %arg12[%get3A_159, %get3A_160] {strides = array<i32>} : memref<80x64xf32, #tpu.memory_space<vmem>>, vector<16xf32>,
          %pack3A_162 = tpu.pack_subelements %get3A_158, %get3A_161 {pack_format = #tpu.pack_format<interleaved>, positions = array<i32: 0, 1>} : vector<16xf32>, vector<16xf32> -> vector<32xbf16>
          %swap3A_163 = arith.index_cast %add3A_155 : i32 to index
          %swap3A_164 = arith.constant 0 : index
          %swap3A_165 = tpu.vector_load %arg10[%swap3A_163, %swap3A_164] {strides = array<i32>} : memref<80x64xbf16, #tpu.memory_space<vmem>>, vector<32xbf16>,
          tpu.vector_store %arg10[%swap3A_163, %swap3A_164], %pack3A_162 {strides = array<i32>} : memref<80x64xbf16, #tpu.memory_space<vmem>>, vector<32xbf16>,
          %get3A_166 = arith.index_cast %add3A_155 : i32 to index
          %get3A_167 = arith.constant 32 : index
          %get3A_168 = tpu.vector_load %arg12[%get3A_166, %get3A_167] {strides = array<i32>} : memref<80x64xf32, #tpu.memory_space<vmem>>, vector<16xf32>,
          %get3A_169 = arith.index_cast %add3A_155 : i32 to index
          %get3A_170 = arith.constant 48 : index
          %get3A_171 = tpu.vector_load %arg12[%get3A_169, %get3A_170] {strides = array<i32>} : memref<80x64xf32, #tpu.memory_space<vmem>>, vector<16xf32>,
          %pack3A_172 = tpu.pack_subelements %get3A_168, %get3A_171 {pack_format = #tpu.pack_format<interleaved>, positions = array<i32: 0, 1>} : vector<16xf32>, vector<16xf32> -> vector<32xbf16>
          %swap3A_173 = arith.index_cast %add3A_155 : i32 to index
          %swap3A_174 = arith.constant 32 : index
          %swap3A_175 = tpu.vector_load %arg10[%swap3A_173, %swap3A_174] {strides = array<i32>} : memref<80x64xbf16, #tpu.memory_space<vmem>>, vector<32xbf16>,
          tpu.vector_store %arg10[%swap3A_173, %swap3A_174], %pack3A_172 {strides = array<i32>} : memref<80x64xbf16, #tpu.memory_space<vmem>>, vector<32xbf16>,
        }
        %scan3A_57 = arith.constant 16 : i32
        "tpu.region"() ({
          %run_scoped3A = tpu.sem_alloc : memref<!tpu.dma_semaphore, #tpu.memory_space<semaphore_mem>>
          %dma_start3A_58 = arith.constant 0 : i32
          %dma_start3A_59 = arith.constant 0 : i32
          %dma_start3A_60 = tpu.memref_slice %arg10[%dma_start3A_58, %dma_start3A_59] : memref<80x64xbf16, #tpu.memory_space<vmem>> -> memref<80x64xbf16, #tpu.memory_space<vmem>>
          %dma_start3A_61 = arith.constant 0 : i32
          %dma_start3A_62 = tpu.memref_slice %arg6[%multiple_of3A_51, %dma_start3A_61] : memref<10000x64xbf16, #tpu.memory_space<vmem_shared>> -> memref<80x64xbf16, #tpu.memory_space<vmem_shared>>
          %dma_start3A_63 = arith.constant 0 : i32
          %dma_start3A_64 = tpu.memref_slice %arg6[%multiple_of3A_51, %dma_start3A_63] : memref<10000x64xbf16, #tpu.memory_space<vmem_shared>> -> memref<80x64xbf16, #tpu.memory_space<vmem_shared>>
          %dma_start3A_65 = arith.constant 0 : i32
          %dma_start3A_66 = arith.constant 0 : i32
          %dma_start3A_67 = tpu.memref_slice %arg10[%dma_start3A_65, %dma_start3A_66] : memref<80x64xbf16, #tpu.memory_space<vmem>> -> memref<80x64xbf16, #tpu.memory_space<vmem>>
          tpu.enqueue_dma source(%dma_start3A_67 : memref<80x64xbf16, #tpu.memory_space<vmem>>) target(%dma_start3A_64 : memref<80x64xbf16, #tpu.memory_space<vmem_shared>>) target_semaphore(%run_scoped3A : memref<!tpu.dma_semaphore, #tpu.memory_space<semaphore_mem>>)
          %dma_wait3A = arith.constant 0 : i32
          %dma_wait3A_68 = arith.constant 0 : i32
          %dma_wait3A_69 = tpu.memref_slice %arg10[%dma_wait3A, %dma_wait3A_68] : memref<80x64xbf16, #tpu.memory_space<vmem>> -> memref<80x64xbf16, #tpu.memory_space<vmem>>
          %dma_wait3A_70 = arith.constant 0 : i32
          %dma_wait3A_71 = tpu.memref_slice %arg6[%multiple_of3A_51, %dma_wait3A_70] : memref<10000x64xbf16, #tpu.memory_space<vmem_shared>> -> memref<80x64xbf16, #tpu.memory_space<vmem_shared>>
          %dma_wait3A_72 = arith.constant 0 : i32
          %dma_wait3A_73 = tpu.memref_slice %arg6[%multiple_of3A_51, %dma_wait3A_72] : memref<10000x64xbf16, #tpu.memory_space<vmem_shared>> -> memref<80x64xbf16, #tpu.memory_space<vmem_shared>>
          %dma_wait3A_74 = arith.constant 0 : i32
          %dma_wait3A_75 = arith.constant 0 : i32
          %dma_wait3A_76 = tpu.memref_slice %arg10[%dma_wait3A_74, %dma_wait3A_75] : memref<80x64xbf16, #tpu.memory_space<vmem>> -> memref<80x64xbf16, #tpu.memory_space<vmem>>
          tpu.wait_dma2 semaphore(%run_scoped3A : memref<!tpu.dma_semaphore, #tpu.memory_space<semaphore_mem>>) src(%dma_wait3A_76 : memref<80x64xbf16, #tpu.memory_space<vmem>>) dst(%dma_wait3A_73 : memref<80x64xbf16, #tpu.memory_space<vmem_shared>>)
          tpu.yield
        }) : () -> ()
      } else {
      }
    }
    %scan3A_5 = arith.constant 8 : i32
    %scan3A_6 = arith.constant 0 : i32
    %scan3A_7 = arith.constant 0 : i32
    %scan3A_8 = arith.constant 80 : i32
    %scan3A_9 = arith.addi %scan3A_7, %scan3A_8 : i32
    %scan3A_10 = arith.constant 1 : i32
    scf.for %scan3A_44 = %scan3A_7 to %scan3A_9 step %scan3A_10  : i32 {
      %broadcast_in_dim3A = arith.constant 0.000000e+00 : bf16
      %broadcast_in_dim3A_45 = vector.broadcast %broadcast_in_dim3A : bf16 to vector<32xbf16>
      %swap3A = arith.index_cast %scan3A_44 : i32 to index
      %swap3A_46 = arith.constant 0 : index
      %swap3A_47 = tpu.vector_load %arg10[%swap3A, %swap3A_46] {strides = array<i32>} : memref<80x64xbf16, #tpu.memory_space<vmem>>, vector<32xbf16>,
      tpu.vector_store %arg10[%swap3A, %swap3A_46], %broadcast_in_dim3A_45 {strides = array<i32>} : memref<80x64xbf16, #tpu.memory_space<vmem>>, vector<32xbf16>,
      %broadcast_in_dim3A_48 = arith.constant 0.000000e+00 : bf16
      %broadcast_in_dim3A_49 = vector.broadcast %broadcast_in_dim3A_48 : bf16 to vector<32xbf16>
      %swap3A_50 = arith.index_cast %scan3A_44 : i32 to index
      %swap3A_51 = arith.constant 32 : index
      %swap3A_52 = tpu.vector_load %arg10[%swap3A_50, %swap3A_51] {strides = array<i32>} : memref<80x64xbf16, #tpu.memory_space<vmem>>, vector<32xbf16>,
      tpu.vector_store %arg10[%swap3A_50, %swap3A_51], %broadcast_in_dim3A_49 {strides = array<i32>} : memref<80x64xbf16, #tpu.memory_space<vmem>>, vector<32xbf16>,
    }
    %scan3A_11 = arith.constant 80 : i32
    %scan3A_12 = arith.constant 0 : i32
    %scan3A_13 = arith.constant 0 : i32
    %scan3A_14 = arith.constant 8 : i32
    %scan3A_15 = arith.addi %scan3A_13, %scan3A_14 : i32
    %scan3A_16 = arith.constant 1 : i32
    scf.for %scan3A_44 = %scan3A_13 to %scan3A_15 step %scan3A_16  : i32 {
      %mul3A_45 = arith.constant 16 : i32
      %mul3A_46 = arith.muli %scan3A_44, %mul3A_45 : i32
      %add3A = arith.addi %mul3A_46, %arg1 : i32
      %lt3A = arith.constant 125 : i32
      %lt3A_47 = arith.cmpi slt, %add3A, %lt3A : i32
      %convert_element_type3A = arith.extui %lt3A_47 : i1 to i32
      %cond3A = arith.constant 0 : i32
      %cond3A_48 = arith.cmpi ne, %convert_element_type3A, %cond3A : i32
      scf.if %cond3A_48 {
        %mul3A_49 = arith.constant 80 : i32
        %mul3A_50 = arith.muli %add3A, %mul3A_49 : i32
        %multiple_of3A_51 = tpu.assume_multiple %mul3A_50, 80 : i32
        "tpu.region"() ({
          %run_scoped3A = tpu.sem_alloc : memref<!tpu.dma_semaphore, #tpu.memory_space<semaphore_mem>>
          %dma_start3A_52 = arith.constant 0 : i32
          %dma_start3A_53 = arith.constant 0 : i32
          %dma_start3A_54 = tpu.memref_slice %arg10[%dma_start3A_52, %dma_start3A_53] : memref<80x64xbf16, #tpu.memory_space<vmem>> -> memref<80x64xbf16, #tpu.memory_space<vmem>>
          %dma_start3A_55 = arith.constant 0 : i32
          %dma_start3A_56 = tpu.memref_slice %arg7[%multiple_of3A_51, %dma_start3A_55] : memref<10000x64xbf16, #tpu.memory_space<vmem_shared>> -> memref<80x64xbf16, #tpu.memory_space<vmem_shared>>
          %dma_start3A_57 = arith.constant 0 : i32
          %dma_start3A_58 = tpu.memref_slice %arg7[%multiple_of3A_51, %dma_start3A_57] : memref<10000x64xbf16, #tpu.memory_space<vmem_shared>> -> memref<80x64xbf16, #tpu.memory_space<vmem_shared>>
          %dma_start3A_59 = arith.constant 0 : i32
          %dma_start3A_60 = arith.constant 0 : i32
          %dma_start3A_61 = tpu.memref_slice %arg10[%dma_start3A_59, %dma_start3A_60] : memref<80x64xbf16, #tpu.memory_space<vmem>> -> memref<80x64xbf16, #tpu.memory_space<vmem>>
          tpu.enqueue_dma source(%dma_start3A_61 : memref<80x64xbf16, #tpu.memory_space<vmem>>) target(%dma_start3A_58 : memref<80x64xbf16, #tpu.memory_space<vmem_shared>>) target_semaphore(%run_scoped3A : memref<!tpu.dma_semaphore, #tpu.memory_space<semaphore_mem>>)
          %dma_wait3A = arith.constant 0 : i32
          %dma_wait3A_62 = arith.constant 0 : i32
          %dma_wait3A_63 = tpu.memref_slice %arg10[%dma_wait3A, %dma_wait3A_62] : memref<80x64xbf16, #tpu.memory_space<vmem>> -> memref<80x64xbf16, #tpu.memory_space<vmem>>
          %dma_wait3A_64 = arith.constant 0 : i32
          %dma_wait3A_65 = tpu.memref_slice %arg7[%multiple_of3A_51, %dma_wait3A_64] : memref<10000x64xbf16, #tpu.memory_space<vmem_shared>> -> memref<80x64xbf16, #tpu.memory_space<vmem_shared>>
          %dma_wait3A_66 = arith.constant 0 : i32
          %dma_wait3A_67 = tpu.memref_slice %arg7[%multiple_of3A_51, %dma_wait3A_66] : memref<10000x64xbf16, #tpu.memory_space<vmem_shared>> -> memref<80x64xbf16, #tpu.memory_space<vmem_shared>>
          %dma_wait3A_68 = arith.constant 0 : i32
          %dma_wait3A_69 = arith.constant 0 : i32
          %dma_wait3A_70 = tpu.memref_slice %arg10[%dma_wait3A_68, %dma_wait3A_69] : memref<80x64xbf16, #tpu.memory_space<vmem>> -> memref<80x64xbf16, #tpu.memory_space<vmem>>
          tpu.wait_dma2 semaphore(%run_scoped3A : memref<!tpu.dma_semaphore, #tpu.memory_space<semaphore_mem>>) src(%dma_wait3A_70 : memref<80x64xbf16, #tpu.memory_space<vmem>>) dst(%dma_wait3A_67 : memref<80x64xbf16, #tpu.memory_space<vmem_shared>>)
          tpu.yield
        }) : () -> ()
      } else {
      }
    }
    %scan3A_17 = arith.constant 8 : i32
    "tpu.region"() ({
      %run_scoped3A = tpu.sem_alloc : memref<!tpu.dma_semaphore, #tpu.memory_space<semaphore_mem>>
      %dma_start3A_44 = arith.constant 0 : i32
      %dma_start3A_45 = arith.constant 0 : i32
      %dma_start3A_46 = tpu.memref_slice %arg3[%arg1, %dma_start3A_44, %dma_start3A_45] : memref<16x250x80xi32, #tpu.memory_space<hbm>> -> memref<1x250x80xi32, #tpu.memory_space<hbm>>
      %dma_start3A_47 = tpu.memref_squeeze %dma_start3A_46 : memref<1x250x80xi32, #tpu.memory_space<hbm>> -> memref<250x80xi32, #tpu.memory_space<hbm>>
      %dma_start3A_48 = arith.constant 0 : i32
      %dma_start3A_49 = arith.constant 0 : i32
      %dma_start3A_50 = tpu.memref_slice %arg3[%arg1, %dma_start3A_48, %dma_start3A_49] : memref<16x250x80xi32, #tpu.memory_space<hbm>> -> memref<1x250x80xi32, #tpu.memory_space<hbm>>
      %dma_start3A_51 = tpu.memref_squeeze %dma_start3A_50 : memref<1x250x80xi32, #tpu.memory_space<hbm>> -> memref<250x80xi32, #tpu.memory_space<hbm>>
      tpu.enqueue_dma source(%dma_start3A_51 : memref<250x80xi32, #tpu.memory_space<hbm>>) target(%arg8 : memref<250x80xi32, #tpu.memory_space<vmem>>) target_semaphore(%run_scoped3A : memref<!tpu.dma_semaphore, #tpu.memory_space<semaphore_mem>>)
      %dma_wait3A = arith.constant 0 : i32
      %dma_wait3A_52 = arith.constant 0 : i32
      %dma_wait3A_53 = tpu.memref_slice %arg3[%arg1, %dma_wait3A, %dma_wait3A_52] : memref<16x250x80xi32, #tpu.memory_space<hbm>> -> memref<1x250x80xi32, #tpu.memory_space<hbm>>
      %dma_wait3A_54 = tpu.memref_squeeze %dma_wait3A_53 : memref<1x250x80xi32, #tpu.memory_space<hbm>> -> memref<250x80xi32, #tpu.memory_space<hbm>>
      %dma_wait3A_55 = arith.constant 0 : i32
      %dma_wait3A_56 = arith.constant 0 : i32
      %dma_wait3A_57 = tpu.memref_slice %arg3[%arg1, %dma_wait3A_55, %dma_wait3A_56] : memref<16x250x80xi32, #tpu.memory_space<hbm>> -> memref<1x250x80xi32, #tpu.memory_space<hbm>>
      %dma_wait3A_58 = tpu.memref_squeeze %dma_wait3A_57 : memref<1x250x80xi32, #tpu.memory_space<hbm>> -> memref<250x80xi32, #tpu.memory_space<hbm>>
      tpu.wait_dma2 semaphore(%run_scoped3A : memref<!tpu.dma_semaphore, #tpu.memory_space<semaphore_mem>>) src(%dma_wait3A_58 : memref<250x80xi32, #tpu.memory_space<hbm>>) dst(%arg8 : memref<250x80xi32, #tpu.memory_space<vmem>>)
      tpu.yield
    }) : () -> ()
    "tpu.region"() ({
      %run_scoped3A = tpu.sem_alloc : memref<!tpu.dma_semaphore, #tpu.memory_space<semaphore_mem>>
      %dma_start3A_44 = arith.constant 0 : i32
      %dma_start3A_45 = arith.constant 0 : i32
      %dma_start3A_46 = tpu.memref_slice %arg4[%arg1, %dma_start3A_44, %dma_start3A_45] : memref<16x250x80xi32, #tpu.memory_space<hbm>> -> memref<1x250x80xi32, #tpu.memory_space<hbm>>
      %dma_start3A_47 = tpu.memref_squeeze %dma_start3A_46 : memref<1x250x80xi32, #tpu.memory_space<hbm>> -> memref<250x80xi32, #tpu.memory_space<hbm>>
      %dma_start3A_48 = arith.constant 0 : i32
      %dma_start3A_49 = arith.constant 0 : i32
      %dma_start3A_50 = tpu.memref_slice %arg4[%arg1, %dma_start3A_48, %dma_start3A_49] : memref<16x250x80xi32, #tpu.memory_space<hbm>> -> memref<1x250x80xi32, #tpu.memory_space<hbm>>
      %dma_start3A_51 = tpu.memref_squeeze %dma_start3A_50 : memref<1x250x80xi32, #tpu.memory_space<hbm>> -> memref<250x80xi32, #tpu.memory_space<hbm>>
      tpu.enqueue_dma source(%dma_start3A_51 : memref<250x80xi32, #tpu.memory_space<hbm>>) target(%arg9 : memref<250x80xi32, #tpu.memory_space<vmem>>) target_semaphore(%run_scoped3A : memref<!tpu.dma_semaphore, #tpu.memory_space<semaphore_mem>>)
      %dma_wait3A = arith.constant 0 : i32
      %dma_wait3A_52 = arith.constant 0 : i32
      %dma_wait3A_53 = tpu.memref_slice %arg4[%arg1, %dma_wait3A, %dma_wait3A_52] : memref<16x250x80xi32, #tpu.memory_space<hbm>> -> memref<1x250x80xi32, #tpu.memory_space<hbm>>
      %dma_wait3A_54 = tpu.memref_squeeze %dma_wait3A_53 : memref<1x250x80xi32, #tpu.memory_space<hbm>> -> memref<250x80xi32, #tpu.memory_space<hbm>>
      %dma_wait3A_55 = arith.constant 0 : i32
      %dma_wait3A_56 = arith.constant 0 : i32
      %dma_wait3A_57 = tpu.memref_slice %arg4[%arg1, %dma_wait3A_55, %dma_wait3A_56] : memref<16x250x80xi32, #tpu.memory_space<hbm>> -> memref<1x250x80xi32, #tpu.memory_space<hbm>>
      %dma_wait3A_58 = tpu.memref_squeeze %dma_wait3A_57 : memref<1x250x80xi32, #tpu.memory_space<hbm>> -> memref<250x80xi32, #tpu.memory_space<hbm>>
      tpu.wait_dma2 semaphore(%run_scoped3A : memref<!tpu.dma_semaphore, #tpu.memory_space<semaphore_mem>>) src(%dma_wait3A_58 : memref<250x80xi32, #tpu.memory_space<hbm>>) dst(%arg9 : memref<250x80xi32, #tpu.memory_space<vmem>>)
      tpu.yield
    }) : () -> ()
    %barrier3A = arith.constant 0 : index
    tpu.barrier barrier_id(%barrier3A)
    %dma_start3A = arith.constant 0 : i32
    %dma_start3A_18 = arith.constant 0 : i32
    %dma_start3A_19 = tpu.memref_slice %arg8[%dma_start3A, %dma_start3A_18] : memref<250x80xi32, #tpu.memory_space<vmem>> -> memref<1x80xi32, #tpu.memory_space<vmem>>
    %dma_start3A_20 = tpu.memref_squeeze %dma_start3A_19 : memref<1x80xi32, #tpu.memory_space<vmem>> -> memref<80xi32, #tpu.memory_space<vmem>>
    %dma_start3A_21 = arith.constant 0 : i32
    %dma_start3A_22 = arith.constant 0 : i32
    %dma_start3A_23 = tpu.memref_slice %arg6[%dma_start3A_21, %dma_start3A_22] : memref<10000x64xbf16, #tpu.memory_space<vmem_shared>> -> memref<10000x64xbf16, #tpu.memory_space<vmem_shared>>
    tpu.enqueue_indirect_dma source(%dma_start3A_23 : memref<10000x64xbf16, #tpu.memory_space<vmem_shared>>) target(%arg10 : memref<80x64xbf16, #tpu.memory_space<vmem>>) offsets(%dma_start3A_20 : memref<80xi32, #tpu.memory_space<vmem>>) semaphore(%arg13 : memref<!tpu.dma_semaphore, #tpu.memory_space<semaphore_mem>>)
    %dma_start3A_24 = arith.constant 1 : i32
    %dma_start3A_25 = arith.constant 0 : i32
    %dma_start3A_26 = tpu.memref_slice %arg8[%dma_start3A_24, %dma_start3A_25] : memref<250x80xi32, #tpu.memory_space<vmem>> -> memref<1x80xi32, #tpu.memory_space<vmem>>
    %dma_start3A_27 = tpu.memref_squeeze %dma_start3A_26 : memref<1x80xi32, #tpu.memory_space<vmem>> -> memref<80xi32, #tpu.memory_space<vmem>>
    %dma_start3A_28 = arith.constant 0 : i32
    %dma_start3A_29 = arith.constant 0 : i32
    %dma_start3A_30 = tpu.memref_slice %arg6[%dma_start3A_28, %dma_start3A_29] : memref<10000x64xbf16, #tpu.memory_space<vmem_shared>> -> memref<10000x64xbf16, #tpu.memory_space<vmem_shared>>
    tpu.enqueue_indirect_dma source(%dma_start3A_30 : memref<10000x64xbf16, #tpu.memory_space<vmem_shared>>) target(%arg11 : memref<80x64xbf16, #tpu.memory_space<vmem>>) offsets(%dma_start3A_27 : memref<80xi32, #tpu.memory_space<vmem>>) semaphore(%arg14 : memref<!tpu.dma_semaphore, #tpu.memory_space<semaphore_mem>>)
    %scan3A_31 = arith.constant 0 : i32
    %scan3A_32 = arith.constant 0 : i32
    %scan3A_33 = arith.constant 125 : i32
    %scan3A_34 = arith.addi %scan3A_32, %scan3A_33 : i32
    %scan3A_35 = arith.constant 1 : i32
    scf.for %scan3A_44 = %scan3A_32 to %scan3A_34 step %scan3A_35  : i32 {
      %mul3A_45 = arith.constant 2 : i32
      %mul3A_46 = arith.muli %scan3A_44, %mul3A_45 : i32
      %add3A = arith.constant 0 : i32
      %add3A_47 = arith.addi %mul3A_46, %add3A : i32
      %dma_wait3A = arith.constant 0 : i32
      %dma_wait3A_48 = tpu.memref_slice %arg8[%add3A_47, %dma_wait3A] : memref<250x80xi32, #tpu.memory_space<vmem>> -> memref<1x80xi32, #tpu.memory_space<vmem>>
      %dma_wait3A_49 = tpu.memref_squeeze %dma_wait3A_48 : memref<1x80xi32, #tpu.memory_space<vmem>> -> memref<80xi32, #tpu.memory_space<vmem>>
      %dma_wait3A_50 = arith.constant 0 : i32
      %dma_wait3A_51 = arith.constant 0 : i32
      %dma_wait3A_52 = tpu.memref_slice %arg6[%dma_wait3A_50, %dma_wait3A_51] : memref<10000x64xbf16, #tpu.memory_space<vmem_shared>> -> memref<10000x64xbf16, #tpu.memory_space<vmem_shared>>
      tpu.wait_indirect_dma semaphore(%arg13 : memref<!tpu.dma_semaphore, #tpu.memory_space<semaphore_mem>>) src(%dma_wait3A_52 : memref<10000x64xbf16, #tpu.memory_space<vmem_shared>>) dst(%arg10 : memref<80x64xbf16, #tpu.memory_space<vmem>>)
      %dma_start3A_53 = arith.constant 0 : i32
      %dma_start3A_54 = tpu.memref_slice %arg9[%add3A_47, %dma_start3A_53] : memref<250x80xi32, #tpu.memory_space<vmem>> -> memref<1x80xi32, #tpu.memory_space<vmem>>
      %dma_start3A_55 = tpu.memref_squeeze %dma_start3A_54 : memref<1x80xi32, #tpu.memory_space<vmem>> -> memref<80xi32, #tpu.memory_space<vmem>>
      %dma_start3A_56 = arith.constant 0 : i32
      %dma_start3A_57 = arith.constant 0 : i32
      %dma_start3A_58 = tpu.memref_slice %arg7[%dma_start3A_56, %dma_start3A_57] : memref<10000x64xbf16, #tpu.memory_space<vmem_shared>> -> memref<10000x64xbf16, #tpu.memory_space<vmem_shared>>
      tpu.enqueue_indirect_dma source(%arg10 : memref<80x64xbf16, #tpu.memory_space<vmem>>) target(%dma_start3A_58 : memref<10000x64xbf16, #tpu.memory_space<vmem_shared>>) offsets(%dma_start3A_55 : memref<80xi32, #tpu.memory_space<vmem>>) semaphore(%arg15 : memref<!tpu.dma_semaphore, #tpu.memory_space<semaphore_mem>>) {add = true}
      %dma_wait3A_59 = arith.constant 0 : i32
      %dma_wait3A_60 = tpu.memref_slice %arg9[%add3A_47, %dma_wait3A_59] : memref<250x80xi32, #tpu.memory_space<vmem>> -> memref<1x80xi32, #tpu.memory_space<vmem>>
      %dma_wait3A_61 = tpu.memref_squeeze %dma_wait3A_60 : memref<1x80xi32, #tpu.memory_space<vmem>> -> memref<80xi32, #tpu.memory_space<vmem>>
      %dma_wait3A_62 = arith.constant 0 : i32
      %dma_wait3A_63 = arith.constant 0 : i32
      %dma_wait3A_64 = tpu.memref_slice %arg7[%dma_wait3A_62, %dma_wait3A_63] : memref<10000x64xbf16, #tpu.memory_space<vmem_shared>> -> memref<10000x64xbf16, #tpu.memory_space<vmem_shared>>
      tpu.wait_indirect_dma semaphore(%arg15 : memref<!tpu.dma_semaphore, #tpu.memory_space<semaphore_mem>>) src(%arg10 : memref<80x64xbf16, #tpu.memory_space<vmem>>) dst(%dma_wait3A_64 : memref<10000x64xbf16, #tpu.memory_space<vmem_shared>>)
      %add3A_65 = arith.constant 2 : i32
      %add3A_66 = arith.addi %add3A_47, %add3A_65 : i32
      %lt3A = arith.constant 250 : i32
      %lt3A_67 = arith.cmpi slt, %add3A_66, %lt3A : i32
      %convert_element_type3A = arith.extui %lt3A_67 : i1 to i32
      %cond3A = arith.constant 0 : i32
      %cond3A_68 = arith.cmpi ne, %convert_element_type3A, %cond3A : i32
      scf.if %cond3A_68 {
        %add3A_96 = arith.constant 2 : i32
        %add3A_97 = arith.addi %add3A_47, %add3A_96 : i32
        %dma_start3A_98 = arith.constant 0 : i32
        %dma_start3A_99 = tpu.memref_slice %arg8[%add3A_97, %dma_start3A_98] : memref<250x80xi32, #tpu.memory_space<vmem>> -> memref<1x80xi32, #tpu.memory_space<vmem>>
        %dma_start3A_100 = tpu.memref_squeeze %dma_start3A_99 : memref<1x80xi32, #tpu.memory_space<vmem>> -> memref<80xi32, #tpu.memory_space<vmem>>
        %dma_start3A_101 = arith.constant 0 : i32
        %dma_start3A_102 = arith.constant 0 : i32
        %dma_start3A_103 = tpu.memref_slice %arg6[%dma_start3A_101, %dma_start3A_102] : memref<10000x64xbf16, #tpu.memory_space<vmem_shared>> -> memref<10000x64xbf16, #tpu.memory_space<vmem_shared>>
        tpu.enqueue_indirect_dma source(%dma_start3A_103 : memref<10000x64xbf16, #tpu.memory_space<vmem_shared>>) target(%arg10 : memref<80x64xbf16, #tpu.memory_space<vmem>>) offsets(%dma_start3A_100 : memref<80xi32, #tpu.memory_space<vmem>>) semaphore(%arg13 : memref<!tpu.dma_semaphore, #tpu.memory_space<semaphore_mem>>)
      } else {
      }
      %add3A_69 = arith.constant 1 : i32
      %add3A_70 = arith.addi %mul3A_46, %add3A_69 : i32
      %dma_wait3A_71 = arith.constant 0 : i32
      %dma_wait3A_72 = tpu.memref_slice %arg8[%add3A_70, %dma_wait3A_71] : memref<250x80xi32, #tpu.memory_space<vmem>> -> memref<1x80xi32, #tpu.memory_space<vmem>>
      %dma_wait3A_73 = tpu.memref_squeeze %dma_wait3A_72 : memref<1x80xi32, #tpu.memory_space<vmem>> -> memref<80xi32, #tpu.memory_space<vmem>>
      %dma_wait3A_74 = arith.constant 0 : i32
      %dma_wait3A_75 = arith.constant 0 : i32
      %dma_wait3A_76 = tpu.memref_slice %arg6[%dma_wait3A_74, %dma_wait3A_75] : memref<10000x64xbf16, #tpu.memory_space<vmem_shared>> -> memref<10000x64xbf16, #tpu.memory_space<vmem_shared>>
      tpu.wait_indirect_dma semaphore(%arg14 : memref<!tpu.dma_semaphore, #tpu.memory_space<semaphore_mem>>) src(%dma_wait3A_76 : memref<10000x64xbf16, #tpu.memory_space<vmem_shared>>) dst(%arg11 : memref<80x64xbf16, #tpu.memory_space<vmem>>)
      %dma_start3A_77 = arith.constant 0 : i32
      %dma_start3A_78 = tpu.memref_slice %arg9[%add3A_70, %dma_start3A_77] : memref<250x80xi32, #tpu.memory_space<vmem>> -> memref<1x80xi32, #tpu.memory_space<vmem>>
      %dma_start3A_79 = tpu.memref_squeeze %dma_start3A_78 : memref<1x80xi32, #tpu.memory_space<vmem>> -> memref<80xi32, #tpu.memory_space<vmem>>
      %dma_start3A_80 = arith.constant 0 : i32
      %dma_start3A_81 = arith.constant 0 : i32
      %dma_start3A_82 = tpu.memref_slice %arg7[%dma_start3A_80, %dma_start3A_81] : memref<10000x64xbf16, #tpu.memory_space<vmem_shared>> -> memref<10000x64xbf16, #tpu.memory_space<vmem_shared>>
      tpu.enqueue_indirect_dma source(%arg11 : memref<80x64xbf16, #tpu.memory_space<vmem>>) target(%dma_start3A_82 : memref<10000x64xbf16, #tpu.memory_space<vmem_shared>>) offsets(%dma_start3A_79 : memref<80xi32, #tpu.memory_space<vmem>>) semaphore(%arg15 : memref<!tpu.dma_semaphore, #tpu.memory_space<semaphore_mem>>) {add = true}
      %dma_wait3A_83 = arith.constant 0 : i32
      %dma_wait3A_84 = tpu.memref_slice %arg9[%add3A_70, %dma_wait3A_83] : memref<250x80xi32, #tpu.memory_space<vmem>> -> memref<1x80xi32, #tpu.memory_space<vmem>>
      %dma_wait3A_85 = tpu.memref_squeeze %dma_wait3A_84 : memref<1x80xi32, #tpu.memory_space<vmem>> -> memref<80xi32, #tpu.memory_space<vmem>>
      %dma_wait3A_86 = arith.constant 0 : i32
      %dma_wait3A_87 = arith.constant 0 : i32
      %dma_wait3A_88 = tpu.memref_slice %arg7[%dma_wait3A_86, %dma_wait3A_87] : memref<10000x64xbf16, #tpu.memory_space<vmem_shared>> -> memref<10000x64xbf16, #tpu.memory_space<vmem_shared>>
      tpu.wait_indirect_dma semaphore(%arg15 : memref<!tpu.dma_semaphore, #tpu.memory_space<semaphore_mem>>) src(%arg11 : memref<80x64xbf16, #tpu.memory_space<vmem>>) dst(%dma_wait3A_88 : memref<10000x64xbf16, #tpu.memory_space<vmem_shared>>)
      %add3A_89 = arith.constant 2 : i32
      %add3A_90 = arith.addi %add3A_70, %add3A_89 : i32
      %lt3A_91 = arith.constant 250 : i32
      %lt3A_92 = arith.cmpi slt, %add3A_90, %lt3A_91 : i32
      %convert_element_type3A_93 = arith.extui %lt3A_92 : i1 to i32
      %cond3A_94 = arith.constant 0 : i32
      %cond3A_95 = arith.cmpi ne, %convert_element_type3A_93, %cond3A_94 : i32
      scf.if %cond3A_95 {
        %add3A_96 = arith.constant 2 : i32
        %add3A_97 = arith.addi %add3A_70, %add3A_96 : i32
        %dma_start3A_98 = arith.constant 0 : i32
        %dma_start3A_99 = tpu.memref_slice %arg8[%add3A_97, %dma_start3A_98] : memref<250x80xi32, #tpu.memory_space<vmem>> -> memref<1x80xi32, #tpu.memory_space<vmem>>
        %dma_start3A_100 = tpu.memref_squeeze %dma_start3A_99 : memref<1x80xi32, #tpu.memory_space<vmem>> -> memref<80xi32, #tpu.memory_space<vmem>>
        %dma_start3A_101 = arith.constant 0 : i32
        %dma_start3A_102 = arith.constant 0 : i32
        %dma_start3A_103 = tpu.memref_slice %arg6[%dma_start3A_101, %dma_start3A_102] : memref<10000x64xbf16, #tpu.memory_space<vmem_shared>> -> memref<10000x64xbf16, #tpu.memory_space<vmem_shared>>
        tpu.enqueue_indirect_dma source(%dma_start3A_103 : memref<10000x64xbf16, #tpu.memory_space<vmem_shared>>) target(%arg11 : memref<80x64xbf16, #tpu.memory_space<vmem>>) offsets(%dma_start3A_100 : memref<80xi32, #tpu.memory_space<vmem>>) semaphore(%arg14 : memref<!tpu.dma_semaphore, #tpu.memory_space<semaphore_mem>>)
      } else {
      }
    }
    %scan3A_36 = arith.constant 125 : i32
    %barrier3A_37 = arith.constant 0 : index
    tpu.barrier barrier_id(%barrier3A_37)
    %scan3A_38 = arith.constant 0 : i32
    %scan3A_39 = arith.constant 0 : i32
    %scan3A_40 = arith.constant 8 : i32
    %scan3A_41 = arith.addi %scan3A_39, %scan3A_40 : i32
    %scan3A_42 = arith.constant 1 : i32
    scf.for %scan3A_44 = %scan3A_39 to %scan3A_41 step %scan3A_42  : i32 {
      %mul3A_45 = arith.constant 16 : i32
      %mul3A_46 = arith.muli %scan3A_44, %mul3A_45 : i32
      %add3A = arith.addi %mul3A_46, %arg1 : i32
      %lt3A = arith.constant 125 : i32
      %lt3A_47 = arith.cmpi slt, %add3A, %lt3A : i32
      %convert_element_type3A = arith.extui %lt3A_47 : i1 to i32
      %cond3A = arith.constant 0 : i32
      %cond3A_48 = arith.cmpi ne, %convert_element_type3A, %cond3A : i32
      scf.if %cond3A_48 {
        %mul3A_49 = arith.constant 80 : i32
        %mul3A_50 = arith.muli %add3A, %mul3A_49 : i32
        %multiple_of3A_51 = tpu.assume_multiple %mul3A_50, 80 : i32
        "tpu.region"() ({
          %run_scoped3A = tpu.sem_alloc : memref<!tpu.dma_semaphore, #tpu.memory_space<semaphore_mem>>
          %dma_start3A_58 = arith.constant 0 : i32
          %dma_start3A_59 = arith.constant 0 : i32
          %dma_start3A_60 = tpu.memref_slice %arg10[%dma_start3A_58, %dma_start3A_59] : memref<80x64xbf16, #tpu.memory_space<vmem>> -> memref<80x64xbf16, #tpu.memory_space<vmem>>
          %dma_start3A_61 = arith.constant 0 : i32
          %dma_start3A_62 = tpu.memref_slice %arg7[%multiple_of3A_51, %dma_start3A_61] : memref<10000x64xbf16, #tpu.memory_space<vmem_shared>> -> memref<80x64xbf16, #tpu.memory_space<vmem_shared>>
          %dma_start3A_63 = arith.constant 0 : i32
          %dma_start3A_64 = arith.constant 0 : i32
          %dma_start3A_65 = tpu.memref_slice %arg10[%dma_start3A_63, %dma_start3A_64] : memref<80x64xbf16, #tpu.memory_space<vmem>> -> memref<80x64xbf16, #tpu.memory_space<vmem>>
          %dma_start3A_66 = arith.constant 0 : i32
          %dma_start3A_67 = tpu.memref_slice %arg7[%multiple_of3A_51, %dma_start3A_66] : memref<10000x64xbf16, #tpu.memory_space<vmem_shared>> -> memref<80x64xbf16, #tpu.memory_space<vmem_shared>>
          tpu.enqueue_dma source(%dma_start3A_67 : memref<80x64xbf16, #tpu.memory_space<vmem_shared>>) target(%dma_start3A_65 : memref<80x64xbf16, #tpu.memory_space<vmem>>) target_semaphore(%run_scoped3A : memref<!tpu.dma_semaphore, #tpu.memory_space<semaphore_mem>>)
          %dma_wait3A = arith.constant 0 : i32
          %dma_wait3A_68 = arith.constant 0 : i32
          %dma_wait3A_69 = tpu.memref_slice %arg10[%dma_wait3A, %dma_wait3A_68] : memref<80x64xbf16, #tpu.memory_space<vmem>> -> memref<80x64xbf16, #tpu.memory_space<vmem>>
          %dma_wait3A_70 = arith.constant 0 : i32
          %dma_wait3A_71 = tpu.memref_slice %arg7[%multiple_of3A_51, %dma_wait3A_70] : memref<10000x64xbf16, #tpu.memory_space<vmem_shared>> -> memref<80x64xbf16, #tpu.memory_space<vmem_shared>>
          %dma_wait3A_72 = arith.constant 0 : i32
          %dma_wait3A_73 = arith.constant 0 : i32
          %dma_wait3A_74 = tpu.memref_slice %arg10[%dma_wait3A_72, %dma_wait3A_73] : memref<80x64xbf16, #tpu.memory_space<vmem>> -> memref<80x64xbf16, #tpu.memory_space<vmem>>
          %dma_wait3A_75 = arith.constant 0 : i32
          %dma_wait3A_76 = tpu.memref_slice %arg7[%multiple_of3A_51, %dma_wait3A_75] : memref<10000x64xbf16, #tpu.memory_space<vmem_shared>> -> memref<80x64xbf16, #tpu.memory_space<vmem_shared>>
          tpu.wait_dma2 semaphore(%run_scoped3A : memref<!tpu.dma_semaphore, #tpu.memory_space<semaphore_mem>>) src(%dma_wait3A_76 : memref<80x64xbf16, #tpu.memory_space<vmem_shared>>) dst(%dma_wait3A_74 : memref<80x64xbf16, #tpu.memory_space<vmem>>)
          tpu.yield
        }) : () -> ()
        %scan3A_52 = arith.constant 0 : i32
        %scan3A_53 = arith.constant 0 : i32
        %scan3A_54 = arith.constant 16 : i32
        %scan3A_55 = arith.addi %scan3A_53, %scan3A_54 : i32
        %scan3A_56 = arith.constant 1 : i32
        scf.for %scan3A_58 = %scan3A_53 to %scan3A_55 step %scan3A_56  : i32 {
          %mul3A_59 = arith.constant 5 : i32
          %mul3A_60 = arith.muli %scan3A_58, %mul3A_59 : i32
          %add3A_61 = arith.constant 0 : i32
          %add3A_62 = arith.addi %mul3A_60, %add3A_61 : i32
          %get3A = arith.index_cast %add3A_62 : i32 to index
          %get3A_63 = arith.constant 0 : index
          %get3A_64 = tpu.vector_load %arg10[%get3A, %get3A_63] {strides = array<i32>} : memref<80x64xbf16, #tpu.memory_space<vmem>>, vector<32xbf16>,
          %unpack3A = tpu.unpack_subelements %get3A_64, 0 {pack_format = #tpu.pack_format<interleaved>} : vector<32xbf16> -> vector<16xf32>
          %unpack3A_65 = tpu.unpack_subelements %get3A_64, 1 {pack_format = #tpu.pack_format<interleaved>} : vector<32xbf16> -> vector<16xf32>
          %swap3A = arith.index_cast %add3A_62 : i32 to index
          %swap3A_66 = arith.constant 0 : index
          %swap3A_67 = tpu.vector_load %arg12[%swap3A, %swap3A_66] {strides = array<i32>} : memref<80x64xf32, #tpu.memory_space<vmem>>, vector<16xf32>,
          tpu.vector_store %arg12[%swap3A, %swap3A_66], %unpack3A {strides = array<i32>} : memref<80x64xf32, #tpu.memory_space<vmem>>, vector<16xf32>,
          %swap3A_68 = arith.index_cast %add3A_62 : i32 to index
          %swap3A_69 = arith.constant 16 : index
          %swap3A_70 = tpu.vector_load %arg12[%swap3A_68, %swap3A_69] {strides = array<i32>} : memref<80x64xf32, #tpu.memory_space<vmem>>, vector<16xf32>,
          tpu.vector_store %arg12[%swap3A_68, %swap3A_69], %unpack3A_65 {strides = array<i32>} : memref<80x64xf32, #tpu.memory_space<vmem>>, vector<16xf32>,
          %get3A_71 = arith.index_cast %add3A_62 : i32 to index
          %get3A_72 = arith.constant 32 : index
          %get3A_73 = tpu.vector_load %arg10[%get3A_71, %get3A_72] {strides = array<i32>} : memref<80x64xbf16, #tpu.memory_space<vmem>>, vector<32xbf16>,
          %unpack3A_74 = tpu.unpack_subelements %get3A_73, 0 {pack_format = #tpu.pack_format<interleaved>} : vector<32xbf16> -> vector<16xf32>
          %unpack3A_75 = tpu.unpack_subelements %get3A_73, 1 {pack_format = #tpu.pack_format<interleaved>} : vector<32xbf16> -> vector<16xf32>
          %swap3A_76 = arith.index_cast %add3A_62 : i32 to index
          %swap3A_77 = arith.constant 32 : index
          %swap3A_78 = tpu.vector_load %arg12[%swap3A_76, %swap3A_77] {strides = array<i32>} : memref<80x64xf32, #tpu.memory_space<vmem>>, vector<16xf32>,
          tpu.vector_store %arg12[%swap3A_76, %swap3A_77], %unpack3A_74 {strides = array<i32>} : memref<80x64xf32, #tpu.memory_space<vmem>>, vector<16xf32>,
          %swap3A_79 = arith.index_cast %add3A_62 : i32 to index
          %swap3A_80 = arith.constant 48 : index
          %swap3A_81 = tpu.vector_load %arg12[%swap3A_79, %swap3A_80] {strides = array<i32>} : memref<80x64xf32, #tpu.memory_space<vmem>>, vector<16xf32>,
          tpu.vector_store %arg12[%swap3A_79, %swap3A_80], %unpack3A_75 {strides = array<i32>} : memref<80x64xf32, #tpu.memory_space<vmem>>, vector<16xf32>,
          %mul3A_82 = arith.constant 5 : i32
          %mul3A_83 = arith.muli %scan3A_58, %mul3A_82 : i32
          %add3A_84 = arith.constant 1 : i32
          %add3A_85 = arith.addi %mul3A_83, %add3A_84 : i32
          %get3A_86 = arith.index_cast %add3A_85 : i32 to index
          %get3A_87 = arith.constant 0 : index
          %get3A_88 = tpu.vector_load %arg10[%get3A_86, %get3A_87] {strides = array<i32>} : memref<80x64xbf16, #tpu.memory_space<vmem>>, vector<32xbf16>,
          %unpack3A_89 = tpu.unpack_subelements %get3A_88, 0 {pack_format = #tpu.pack_format<interleaved>} : vector<32xbf16> -> vector<16xf32>
          %unpack3A_90 = tpu.unpack_subelements %get3A_88, 1 {pack_format = #tpu.pack_format<interleaved>} : vector<32xbf16> -> vector<16xf32>
          %swap3A_91 = arith.index_cast %add3A_85 : i32 to index
          %swap3A_92 = arith.constant 0 : index
          %swap3A_93 = tpu.vector_load %arg12[%swap3A_91, %swap3A_92] {strides = array<i32>} : memref<80x64xf32, #tpu.memory_space<vmem>>, vector<16xf32>,
          tpu.vector_store %arg12[%swap3A_91, %swap3A_92], %unpack3A_89 {strides = array<i32>} : memref<80x64xf32, #tpu.memory_space<vmem>>, vector<16xf32>,
          %swap3A_94 = arith.index_cast %add3A_85 : i32 to index
          %swap3A_95 = arith.constant 16 : index
          %swap3A_96 = tpu.vector_load %arg12[%swap3A_94, %swap3A_95] {strides = array<i32>} : memref<80x64xf32, #tpu.memory_space<vmem>>, vector<16xf32>,
          tpu.vector_store %arg12[%swap3A_94, %swap3A_95], %unpack3A_90 {strides = array<i32>} : memref<80x64xf32, #tpu.memory_space<vmem>>, vector<16xf32>,
          %get3A_97 = arith.index_cast %add3A_85 : i32 to index
          %get3A_98 = arith.constant 32 : index
          %get3A_99 = tpu.vector_load %arg10[%get3A_97, %get3A_98] {strides = array<i32>} : memref<80x64xbf16, #tpu.memory_space<vmem>>, vector<32xbf16>,
          %unpack3A_100 = tpu.unpack_subelements %get3A_99, 0 {pack_format = #tpu.pack_format<interleaved>} : vector<32xbf16> -> vector<16xf32>
          %unpack3A_101 = tpu.unpack_subelements %get3A_99, 1 {pack_format = #tpu.pack_format<interleaved>} : vector<32xbf16> -> vector<16xf32>
          %swap3A_102 = arith.index_cast %add3A_85 : i32 to index
          %swap3A_103 = arith.constant 32 : index
          %swap3A_104 = tpu.vector_load %arg12[%swap3A_102, %swap3A_103] {strides = array<i32>} : memref<80x64xf32, #tpu.memory_space<vmem>>, vector<16xf32>,
          tpu.vector_store %arg12[%swap3A_102, %swap3A_103], %unpack3A_100 {strides = array<i32>} : memref<80x64xf32, #tpu.memory_space<vmem>>, vector<16xf32>,
          %swap3A_105 = arith.index_cast %add3A_85 : i32 to index
          %swap3A_106 = arith.constant 48 : index
          %swap3A_107 = tpu.vector_load %arg12[%swap3A_105, %swap3A_106] {strides = array<i32>} : memref<80x64xf32, #tpu.memory_space<vmem>>, vector<16xf32>,
          tpu.vector_store %arg12[%swap3A_105, %swap3A_106], %unpack3A_101 {strides = array<i32>} : memref<80x64xf32, #tpu.memory_space<vmem>>, vector<16xf32>,
          %mul3A_108 = arith.constant 5 : i32
          %mul3A_109 = arith.muli %scan3A_58, %mul3A_108 : i32
          %add3A_110 = arith.constant 2 : i32
          %add3A_111 = arith.addi %mul3A_109, %add3A_110 : i32
          %get3A_112 = arith.index_cast %add3A_111 : i32 to index
          %get3A_113 = arith.constant 0 : index
          %get3A_114 = tpu.vector_load %arg10[%get3A_112, %get3A_113] {strides = array<i32>} : memref<80x64xbf16, #tpu.memory_space<vmem>>, vector<32xbf16>,
          %unpack3A_115 = tpu.unpack_subelements %get3A_114, 0 {pack_format = #tpu.pack_format<interleaved>} : vector<32xbf16> -> vector<16xf32>
          %unpack3A_116 = tpu.unpack_subelements %get3A_114, 1 {pack_format = #tpu.pack_format<interleaved>} : vector<32xbf16> -> vector<16xf32>
          %swap3A_117 = arith.index_cast %add3A_111 : i32 to index
          %swap3A_118 = arith.constant 0 : index
          %swap3A_119 = tpu.vector_load %arg12[%swap3A_117, %swap3A_118] {strides = array<i32>} : memref<80x64xf32, #tpu.memory_space<vmem>>, vector<16xf32>,
          tpu.vector_store %arg12[%swap3A_117, %swap3A_118], %unpack3A_115 {strides = array<i32>} : memref<80x64xf32, #tpu.memory_space<vmem>>, vector<16xf32>,
          %swap3A_120 = arith.index_cast %add3A_111 : i32 to index
          %swap3A_121 = arith.constant 16 : index
          %swap3A_122 = tpu.vector_load %arg12[%swap3A_120, %swap3A_121] {strides = array<i32>} : memref<80x64xf32, #tpu.memory_space<vmem>>, vector<16xf32>,
          tpu.vector_store %arg12[%swap3A_120, %swap3A_121], %unpack3A_116 {strides = array<i32>} : memref<80x64xf32, #tpu.memory_space<vmem>>, vector<16xf32>,
          %get3A_123 = arith.index_cast %add3A_111 : i32 to index
          %get3A_124 = arith.constant 32 : index
          %get3A_125 = tpu.vector_load %arg10[%get3A_123, %get3A_124] {strides = array<i32>} : memref<80x64xbf16, #tpu.memory_space<vmem>>, vector<32xbf16>,
          %unpack3A_126 = tpu.unpack_subelements %get3A_125, 0 {pack_format = #tpu.pack_format<interleaved>} : vector<32xbf16> -> vector<16xf32>
          %unpack3A_127 = tpu.unpack_subelements %get3A_125, 1 {pack_format = #tpu.pack_format<interleaved>} : vector<32xbf16> -> vector<16xf32>
          %swap3A_128 = arith.index_cast %add3A_111 : i32 to index
          %swap3A_129 = arith.constant 32 : index
          %swap3A_130 = tpu.vector_load %arg12[%swap3A_128, %swap3A_129] {strides = array<i32>} : memref<80x64xf32, #tpu.memory_space<vmem>>, vector<16xf32>,
          tpu.vector_store %arg12[%swap3A_128, %swap3A_129], %unpack3A_126 {strides = array<i32>} : memref<80x64xf32, #tpu.memory_space<vmem>>, vector<16xf32>,
          %swap3A_131 = arith.index_cast %add3A_111 : i32 to index
          %swap3A_132 = arith.constant 48 : index
          %swap3A_133 = tpu.vector_load %arg12[%swap3A_131, %swap3A_132] {strides = array<i32>} : memref<80x64xf32, #tpu.memory_space<vmem>>, vector<16xf32>,
          tpu.vector_store %arg12[%swap3A_131, %swap3A_132], %unpack3A_127 {strides = array<i32>} : memref<80x64xf32, #tpu.memory_space<vmem>>, vector<16xf32>,
          %mul3A_134 = arith.constant 5 : i32
          %mul3A_135 = arith.muli %scan3A_58, %mul3A_134 : i32
          %add3A_136 = arith.constant 3 : i32
          %add3A_137 = arith.addi %mul3A_135, %add3A_136 : i32
          %get3A_138 = arith.index_cast %add3A_137 : i32 to index
          %get3A_139 = arith.constant 0 : index
          %get3A_140 = tpu.vector_load %arg10[%get3A_138, %get3A_139] {strides = array<i32>} : memref<80x64xbf16, #tpu.memory_space<vmem>>, vector<32xbf16>,
          %unpack3A_141 = tpu.unpack_subelements %get3A_140, 0 {pack_format = #tpu.pack_format<interleaved>} : vector<32xbf16> -> vector<16xf32>
          %unpack3A_142 = tpu.unpack_subelements %get3A_140, 1 {pack_format = #tpu.pack_format<interleaved>} : vector<32xbf16> -> vector<16xf32>
          %swap3A_143 = arith.index_cast %add3A_137 : i32 to index
          %swap3A_144 = arith.constant 0 : index
          %swap3A_145 = tpu.vector_load %arg12[%swap3A_143, %swap3A_144] {strides = array<i32>} : memref<80x64xf32, #tpu.memory_space<vmem>>, vector<16xf32>,
          tpu.vector_store %arg12[%swap3A_143, %swap3A_144], %unpack3A_141 {strides = array<i32>} : memref<80x64xf32, #tpu.memory_space<vmem>>, vector<16xf32>,
          %swap3A_146 = arith.index_cast %add3A_137 : i32 to index
          %swap3A_147 = arith.constant 16 : index
          %swap3A_148 = tpu.vector_load %arg12[%swap3A_146, %swap3A_147] {strides = array<i32>} : memref<80x64xf32, #tpu.memory_space<vmem>>, vector<16xf32>,
          tpu.vector_store %arg12[%swap3A_146, %swap3A_147], %unpack3A_142 {strides = array<i32>} : memref<80x64xf32, #tpu.memory_space<vmem>>, vector<16xf32>,
          %get3A_149 = arith.index_cast %add3A_137 : i32 to index
          %get3A_150 = arith.constant 32 : index
          %get3A_151 = tpu.vector_load %arg10[%get3A_149, %get3A_150] {strides = array<i32>} : memref<80x64xbf16, #tpu.memory_space<vmem>>, vector<32xbf16>,
          %unpack3A_152 = tpu.unpack_subelements %get3A_151, 0 {pack_format = #tpu.pack_format<interleaved>} : vector<32xbf16> -> vector<16xf32>
          %unpack3A_153 = tpu.unpack_subelements %get3A_151, 1 {pack_format = #tpu.pack_format<interleaved>} : vector<32xbf16> -> vector<16xf32>
          %swap3A_154 = arith.index_cast %add3A_137 : i32 to index
          %swap3A_155 = arith.constant 32 : index
          %swap3A_156 = tpu.vector_load %arg12[%swap3A_154, %swap3A_155] {strides = array<i32>} : memref<80x64xf32, #tpu.memory_space<vmem>>, vector<16xf32>,
          tpu.vector_store %arg12[%swap3A_154, %swap3A_155], %unpack3A_152 {strides = array<i32>} : memref<80x64xf32, #tpu.memory_space<vmem>>, vector<16xf32>,
          %swap3A_157 = arith.index_cast %add3A_137 : i32 to index
          %swap3A_158 = arith.constant 48 : index
          %swap3A_159 = tpu.vector_load %arg12[%swap3A_157, %swap3A_158] {strides = array<i32>} : memref<80x64xf32, #tpu.memory_space<vmem>>, vector<16xf32>,
          tpu.vector_store %arg12[%swap3A_157, %swap3A_158], %unpack3A_153 {strides = array<i32>} : memref<80x64xf32, #tpu.memory_space<vmem>>, vector<16xf32>,
          %mul3A_160 = arith.constant 5 : i32
          %mul3A_161 = arith.muli %scan3A_58, %mul3A_160 : i32
          %add3A_162 = arith.constant 4 : i32
          %add3A_163 = arith.addi %mul3A_161, %add3A_162 : i32
          %get3A_164 = arith.index_cast %add3A_163 : i32 to index
          %get3A_165 = arith.constant 0 : index
          %get3A_166 = tpu.vector_load %arg10[%get3A_164, %get3A_165] {strides = array<i32>} : memref<80x64xbf16, #tpu.memory_space<vmem>>, vector<32xbf16>,
          %unpack3A_167 = tpu.unpack_subelements %get3A_166, 0 {pack_format = #tpu.pack_format<interleaved>} : vector<32xbf16> -> vector<16xf32>
          %unpack3A_168 = tpu.unpack_subelements %get3A_166, 1 {pack_format = #tpu.pack_format<interleaved>} : vector<32xbf16> -> vector<16xf32>
          %swap3A_169 = arith.index_cast %add3A_163 : i32 to index
          %swap3A_170 = arith.constant 0 : index
          %swap3A_171 = tpu.vector_load %arg12[%swap3A_169, %swap3A_170] {strides = array<i32>} : memref<80x64xf32, #tpu.memory_space<vmem>>, vector<16xf32>,
          tpu.vector_store %arg12[%swap3A_169, %swap3A_170], %unpack3A_167 {strides = array<i32>} : memref<80x64xf32, #tpu.memory_space<vmem>>, vector<16xf32>,
          %swap3A_172 = arith.index_cast %add3A_163 : i32 to index
          %swap3A_173 = arith.constant 16 : index
          %swap3A_174 = tpu.vector_load %arg12[%swap3A_172, %swap3A_173] {strides = array<i32>} : memref<80x64xf32, #tpu.memory_space<vmem>>, vector<16xf32>,
          tpu.vector_store %arg12[%swap3A_172, %swap3A_173], %unpack3A_168 {strides = array<i32>} : memref<80x64xf32, #tpu.memory_space<vmem>>, vector<16xf32>,
          %get3A_175 = arith.index_cast %add3A_163 : i32 to index
          %get3A_176 = arith.constant 32 : index
          %get3A_177 = tpu.vector_load %arg10[%get3A_175, %get3A_176] {strides = array<i32>} : memref<80x64xbf16, #tpu.memory_space<vmem>>, vector<32xbf16>,
          %unpack3A_178 = tpu.unpack_subelements %get3A_177, 0 {pack_format = #tpu.pack_format<interleaved>} : vector<32xbf16> -> vector<16xf32>
          %unpack3A_179 = tpu.unpack_subelements %get3A_177, 1 {pack_format = #tpu.pack_format<interleaved>} : vector<32xbf16> -> vector<16xf32>
          %swap3A_180 = arith.index_cast %add3A_163 : i32 to index
          %swap3A_181 = arith.constant 32 : index
          %swap3A_182 = tpu.vector_load %arg12[%swap3A_180, %swap3A_181] {strides = array<i32>} : memref<80x64xf32, #tpu.memory_space<vmem>>, vector<16xf32>,
          tpu.vector_store %arg12[%swap3A_180, %swap3A_181], %unpack3A_178 {strides = array<i32>} : memref<80x64xf32, #tpu.memory_space<vmem>>, vector<16xf32>,
          %swap3A_183 = arith.index_cast %add3A_163 : i32 to index
          %swap3A_184 = arith.constant 48 : index
          %swap3A_185 = tpu.vector_load %arg12[%swap3A_183, %swap3A_184] {strides = array<i32>} : memref<80x64xf32, #tpu.memory_space<vmem>>, vector<16xf32>,
          tpu.vector_store %arg12[%swap3A_183, %swap3A_184], %unpack3A_179 {strides = array<i32>} : memref<80x64xf32, #tpu.memory_space<vmem>>, vector<16xf32>,
        }
        %scan3A_57 = arith.constant 16 : i32
        "tpu.region"() ({
          %run_scoped3A = tpu.sem_alloc : memref<!tpu.dma_semaphore, #tpu.memory_space<semaphore_mem>>
          %dma_start3A_58 = tpu.memref_slice %arg5[%multiple_of3A_51, %multiple_of3A] : memref<10000x128xf32, #tpu.memory_space<hbm>> -> memref<80x64xf32, #tpu.memory_space<hbm>>
          %dma_start3A_59 = tpu.memref_slice %arg5[%multiple_of3A_51, %multiple_of3A] : memref<10000x128xf32, #tpu.memory_space<hbm>> -> memref<80x64xf32, #tpu.memory_space<hbm>>
          tpu.enqueue_dma source(%arg12 : memref<80x64xf32, #tpu.memory_space<vmem>>) target(%dma_start3A_59 : memref<80x64xf32, #tpu.memory_space<hbm>>) target_semaphore(%run_scoped3A : memref<!tpu.dma_semaphore, #tpu.memory_space<semaphore_mem>>)
          %dma_wait3A = tpu.memref_slice %arg5[%multiple_of3A_51, %multiple_of3A] : memref<10000x128xf32, #tpu.memory_space<hbm>> -> memref<80x64xf32, #tpu.memory_space<hbm>>
          %dma_wait3A_60 = tpu.memref_slice %arg5[%multiple_of3A_51, %multiple_of3A] : memref<10000x128xf32, #tpu.memory_space<hbm>> -> memref<80x64xf32, #tpu.memory_space<hbm>>
          tpu.wait_dma2 semaphore(%run_scoped3A : memref<!tpu.dma_semaphore, #tpu.memory_space<semaphore_mem>>) src(%arg12 : memref<80x64xf32, #tpu.memory_space<vmem>>) dst(%dma_wait3A_60 : memref<80x64xf32, #tpu.memory_space<hbm>>)
          tpu.yield
        }) : () -> ()
      } else {
      }
    }
    %scan3A_43 = arith.constant 8 : i32
    return
  }
}

</mosaic_0001>

<sc_bundles>
// kernel: kernel.3.cloned.1.call-start
scs
__scs_entry_jumppad:
0x0: {  	(pc) =	sbr.rel $0x88, $3  }
0x1: {  	(tag) =	ssettag $0x0;
	lr =	simm.s32 $0x1  }
0x2: {  	[smem:$0x3F9F] =	sst lr;
	_ =	strace $0xD0000000  }
0x3: {  	_ = 	snop  }
0x4: {  	_ = 	snop  }
0x5: {  	_ = 	snop  }
0x6: {  	_ = 	snop  }
0x7: {  	_ = 	snop  }
__scs_overlays_trampoline_lowered:
0x8: {  	[smem:$0x3FAE] =	sst s0  }
0x9: {  	[smem:$0x3FAF] =	sst s1  }
0xa: {  	[smem:$0x3FB0] =	sst s2  }
0xb: {  	[smem:$0x3FB1] =	sst s3  }
0xc: {  	[smem:$0x3FB2] =	sst s4  }
0xd: {  	[smem:$0x3FB3] =	sst s5  }
0xe: {  	[smem:$0x3FB4] =	sst s6  }
0xf: {  	[smem:$0x3FB5] =	sst s7  }
0x10: {  	[smem:$0x3FB6] =	sst s8  }
0x11: {  	[smem:$0x3FB7] =	sst s9;
	s0 =	simm.s32 @!p0 $0x0  }
0x12: {  	s1 =	sld [smem:$0x3F9D];
	s0 =	simm.s32 @p0 $0x1  }
0x13: {  	[smem:$0x3FB8] =	sst s0;
	s0 =	simm.s32 @!p1 $0x0  }
0x14: {  	s2 =	sld [smem:$0x3F9C];
	s0 =	simm.s32 @p1 $0x1  }
0x15: {  	[smem:$0x3FB9] =	sst s0;
	s0 =	simm.s32 @!p2 $0x0  }
0x16: {  	s3 =	sld [smem:$0x3FDB];
	s0 =	simm.s32 @p2 $0x1  }
0x17: {  	s4 =	simm.s32 $0x1BF5;
	[smem:$0x3FBB] =	sst s0  }
0x18: {  	s0 =	sld [smem:$0x3F9E];
	_ =	swait.ge [sflag:s4], $0x0  }
0x19: {  	s7 =	sld [smem:$0x3F9F]  }
0x1a: {  	s8 =	sadd.s32 $0xFFFFE003, lr  }
0x1b: {  	s9 =	sadd.s32 $0xFFFFFEF7, lr;
	s5 =	simm.s32 $0xFFFFFFFF;
	p2 =	slt.u32 s8, $0xFFFFF086  }
0x1c: {  	p1 =	slt.u32 s9, $0xF7A;
	s5 =	simm.s32 @!p2 $0x0  }
0x1d: {  	s5 =	simm.s32 @p1 $0x1;
	p0 =	seq.s32 s7, s2  }
0x1e: {  	s7 =	smul.u32 @!p0 $0xF7A, s2;
	p2 =	seq.s32 @!p0 s5, $0x0  }
0x1f: {  	s9 =	smul.u32 $0xF7A, s1;
	s8 =	simm.s32 @!p0 $0x1BF5;
	p2 =	por !p2, p0  }
0x20: {  	[sflag:s8] =	ssyncset.s32 @!p0 $0xFFFFF086;
	s6 =	sadd.s32 @!p0 s3, s7;
	s7 =	simm.s32 @!p0 $0x108  }
0x21: {  	s3 =	sadd.s32 s3, s9;
	s6 =	sadd.s32 @!p0 $0x88, s6;
	s7 =	simm.s32 @p2 $0x1082  }
0x22: {  	[simem:s7], [sflag:s8] =	dma.local @!p0 [hbm:s6], $0xF7A  }
0x23: {  	s9 =	sor.u32 $0xD0000000, s2;
	s6 =	simm.s32 $0x108;
	_ =	swait.ge @!p0 [sflag:s8], $0x0  }
0x24: {  	s3 =	sadd.s32 $0x88, s3;
	s6 =	simm.s32 @!p1 $0x1082;
	[sflag:s4] =	ssyncset.s32 $0xFFFFF086  }
0x25: {  	[simem:s6], [sflag:s4] =	dma.local [hbm:s3], $0xF7A  }
0x26: {  	[smem:$0x3F9F] =	sst s1;
	(tag) =	ssettag s2;
	_ =	strace s9  }
0x27: {  	s1 =	sld [smem:$0x3FAF]  }
0x28: {  	s2 =	sld [smem:$0x3FB0]  }
0x29: {  	s4 =	sld [smem:$0x3FB2]  }
0x2a: {  	p0 =	seq.s32 s5, $0x0;
	s5 =	sld [smem:$0x3FB3]  }
0x2b: {  	s6 =	sld [smem:$0x3FB4]  }
0x2c: {  	s7 =	sld [smem:$0x3FB5]  }
0x2d: {  	s3 =	simm.s32 $0x108;
	s8 =	sld [smem:$0x3FB6]  }
0x2e: {  	s3 =	simm.s32 @!p0 $0x1082;
	s9 =	sld [smem:$0x3FB7]  }
0x2f: {  	lr =	sadd.s32 s0, s3;
	s0 =	sld [smem:$0x3FAE]  }
0x30: {  	s3 =	sld [smem:$0x3FB1]  }
0x31: {  	[smem:$0x3FBA] =	sst s10  }
0x32: {  	s10 =	sld [smem:$0x3FB8];
	_ =	sdelay $0x3  }
0x33: {  	p0 =	seq.s32 s10, $0x1;
	s10 =	sld [smem:$0x3FBA];
	_ =	sdelay $0x3  }
0x34: {  	[smem:$0x3FBA] =	sst s10  }
0x35: {  	s10 =	sld [smem:$0x3FB9];
	_ =	sdelay $0x3  }
0x36: {  	p1 =	seq.s32 s10, $0x1;
	s10 =	sld [smem:$0x3FBA];
	_ =	sdelay $0x3  }
0x37: {  	[smem:$0x3FBA] =	sst s10  }
0x38: {  	s10 =	sld [smem:$0x3FBB]  }
0x39: {  	_ = 	snop;
	(pc) =	sbr.ind lr, $3  }
0x3a: {  	_ = 	snop  }
0x3b: {  	_ = 	snop  }
0x3c: {  	p2 =	seq.s32 s10, $0x1;
	s10 =	sld [smem:$0x3FBA]  }
0x3d: {  	_ =	shalt  }
0x3e: {  	_ =	shalt  }
0x3f: {  	_ =	shalt  }
0x40: {  	_ =	shalt  }
0x41: {  	_ =	shalt  }
0x42: {  	_ =	shalt  }
0x43: {  	_ =	shalt  }
0x44: {  	_ =	shalt  }
0x45: {  	_ =	shalt  }
0x46: {  	_ =	shalt  }
0x47: {  	_ =	shalt  }
0x48: {  	_ =	shalt  }
0x49: {  	_ =	shalt  }
0x4a: {  	_ =	shalt  }
0x4b: {  	_ =	shalt  }
0x4c: {  	_ =	shalt  }
0x4d: {  	_ =	shalt  }
0x4e: {  	_ =	shalt  }
0x4f: {  	_ =	shalt  }
0x50: {  	_ =	shalt  }
0x51: {  	_ =	shalt  }
0x52: {  	_ =	shalt  }
0x53: {  	_ =	shalt  }
0x54: {  	_ =	shalt  }
0x55: {  	_ =	shalt  }
0x56: {  	_ =	shalt  }
0x57: {  	_ =	shalt  }
0x58: {  	_ =	shalt  }
0x59: {  	_ =	shalt  }
0x5a: {  	_ =	shalt  }
0x5b: {  	_ =	shalt  }
0x5c: {  	_ =	shalt  }
0x5d: {  	_ =	shalt  }
0x5e: {  	_ =	shalt  }
0x5f: {  	_ =	shalt  }
0x60: {  	_ =	shalt  }
0x61: {  	_ =	shalt  }
0x62: {  	_ =	shalt  }
0x63: {  	_ =	shalt  }
0x64: {  	_ =	shalt  }
0x65: {  	_ =	shalt  }
0x66: {  	_ =	shalt  }
0x67: {  	_ =	shalt  }
0x68: {  	_ =	shalt  }
0x69: {  	_ =	shalt  }
0x6a: {  	_ =	shalt  }
0x6b: {  	_ =	shalt  }
0x6c: {  	_ =	shalt  }
0x6d: {  	_ =	shalt  }
0x6e: {  	_ =	shalt  }
0x6f: {  	_ =	shalt  }
0x70: {  	_ =	shalt  }
0x71: {  	_ =	shalt  }
0x72: {  	_ =	shalt  }
0x73: {  	_ =	shalt  }
0x74: {  	_ =	shalt  }
0x75: {  	_ =	shalt  }
0x76: {  	_ =	shalt  }
0x77: {  	_ =	shalt  }
0x78: {  	_ =	shalt  }
0x79: {  	_ =	shalt  }
0x7a: {  	_ =	shalt  }
0x7b: {  	_ =	shalt  }
0x7c: {  	_ =	shalt  }
0x7d: {  	_ =	shalt  }
0x7e: {  	_ =	shalt  }
0x7f: {  	_ =	shalt  }
0x80: {  	_ =	shalt  }
0x81: {  	_ =	shalt  }
0x82: {  	_ =	shalt  }
0x83: {  	_ =	shalt  }
0x84: {  	_ =	shalt  }
0x85: {  	_ =	shalt  }
0x86: {  	_ =	shalt  }
0x87: {  	_ =	shalt  }
.Lfunc_end0:
.L_simem_size_0:
called_computation_lowered:
.L_overlay_start_0:
0x88: {  	s2 =	sld [smem:$0x3FD9]  }
0x89: {  	s3 =	sld [smem:$0x3FFE];
	_ =	sdelay $0x1  }
0x8a: {  	s1 =	srdreg.scid  }
0x8b: {  	s0 =	sand.u32 $0x1, s1  }
0x8c: {  	s17 =	sshll.u32 s0, $0xA;
	s2 =	sadd.s32 s3, s2  }
0x8d: {  	s2 =	sadd.s32 s2, s17  }
0x8e: {  	[smem:$0x3FC6] =	sst s2  }
0x8f: {  	_ = 	snop  }
0x90: {  	s2 =	sld [smem:$0x3FC9]  }
0x91: {  	s18 =	sld [smem:$0x3FD0];
	(tm) =	ssettm $0x1  }
0x92: {  	s4 =	sld [smem:$0x3FFB];
	_ =	sdelay $0x3  }
0x93: {  	_ =	strace s4  }
0x94: {  	s4 =	sld [smem:$0x3FFC];
	_ =	sdelay $0x3  }
0x95: {  	_ =	strace s4  }
0x96: {  	s4 =	sld [smem:$0x3FFD];
	_ =	sdelay $0x3  }
0x97: {  	_ =	strace s4  }
0x98: {  	_ =	strace $0x8FFFFFFF  }
0x99: {  	s19 =	sld [smem:$0x3FDB];
	_ =	sdelay $0x1  }
0x9a: {  	s5 =	simm.s32 $_scs_section_size  }
0x9b: {  	s6 =	simm.s32 $_size__tile_overlayer_lowered;
	s7 =	simm.s32 $_tile_overlayer_lowered  }
0x9c: {  	s22 =	simm.s32 $0x1BFF;
	s21 =	sshll.u32 s7, $0x1;
	s4 =	sadd.s32 s5, s19  }
0x9d: {  	s8 =	simm.s32 $0x0;
	s20 =	sshll.u32 s6, $0x1;
	s6 =	sadd.s32 s21, s4  }
0x9e: {  	[timem:s8], [sflag:s22] =	dma.local [hbm:s6], s20  }
0x9f: {  	_ =	swait.ge [sflag:s22], s20  }
0xa0: {  	s5 =	ssub.s32 $0x0, s20;
	[sflag:s22] =	ssyncset.done $0x0  }
0xa1: {  	[sflag:s22] =	ssyncadd.s32 s5;
	_ =	sdelay $0x1  }
0xa2: {  	s23 =	simm.s32 $0x1B8B  }
0xa3: {  	_ =	swait.ge [sflag:s23], $0x1  }
0xa4: {  	[sflag:s23] =	ssyncset.done $0x0  }
0xa5: {  	s25 =	simm.s32 $0x1B8E;
	s24 =	sld [smem:$0x3FFE];
	[sflag:s23] =	ssyncadd.s32 $0xFFFFFFFF  }
0xa6: {  	s26 =	simm.s32 $execute0_lowered;
	[smem:$0x3FD2] =	sst s25  }
0xa7: {  	s6 =	sshll.u32 s26, $0x1;
	_ =	strace $0x80000046;
	[dreg:$0x1] =	wrdreg $0xFFFFFFFF  }
0xa8: {  	s28 =	simm.s32 $_size_execute0_lowered;
	s4 =	sadd.s32 s4, s6;
	[dreg:$0x0] =	wrdreg $0x0  }
0xa9: {  	s6 =	sshll.u32 s28, $0x1;
	[dreg:$0x2] =	wrdreg s4  }
0xaa: {  	[dreg:$0x3] =	wrdreg s6  }
0xab: {  	[dreg:$0x4] =	wrdreg $0xC0  }
0xac: {  	_ =	task [dreg:s8], $0x5FFFF  }
0xad: {  	[dreg:$0x1] =	wrdreg $0xFFFFFFFF  }
0xae: {  	[dreg:$0x0] =	wrdreg $0x60  }
0xaf: {  	[dreg:$0x2] =	wrdreg s2  }
0xb0: {  	[dreg:$0x3] =	wrdreg s24  }
0xb1: {  	[dreg:$0x4] =	wrdreg s18  }
0xb2: {  	[dreg:$0x5] =	wrdreg $0x0  }
0xb3: {  	[dreg:$0x6] =	wrdreg $0x4E200  }
0xb4: {  	[dreg:$0x7] =	wrdreg $0x9  }
0xb5: {  	_ =	task.clear_ibuf [dreg:s8], $0x8FFFF;
	_ =	strace $0x90000046  }
0xb6: {  	s29 =	simm.s32 $0x9;
	_ =	strace $0x80000048  }
0xb7: {  	_ =	swait.ge [sflag:s29], $0x1  }
0xb8: {  	[sflag:s29] =	ssyncadd.s32 $0xFFFFFFFF  }
0xb9: {  	_ =	strace $0x90000048  }
0xba: {  	_ =	sfence  }
0xbb: {  	s30 =	sld [smem:$0x0];
	_ =	sdelay $0x2  }
0xbc: {  	s31 =	sshll.u32 s1, $0xD;
	s1 =	sshrl.u32 s1, $0x2  }
0xbd: {  	s3 =	sand.u32 $0x4000, s31;
	s1 =	sadd.s32 s1, s30  }
0xbe: {  	s0 =	sor.u32 s3, s0;
	s1 =	sshll.u32 s1, $0x11  }
0xbf: {  	s0 =	sor.u32 s1, s0  }
0xc0: {  	s0 =	sadd.s32 $0x8F2B, s0  }
0xc1: {  	[sflag:s0] =	ssyncadd.remote.s32 $0x1  }
0xc2: {  	_ =	sfence.sel $0xFFFF  }
0xc3: {  	[dreg:$0x0] =	wrdreg $0xFFFFFFFF;
	(pc) =	sbr.abs _section_cstart, $3  }
0xc4: {  	[dreg:$0x1] =	wrdreg $0xFFFFFFFF  }
0xc5: {  	_ =	task.clear_ibuf [dreg:s8], $0x2FFFF;
	_ =	strace $0x9FFFFFFF  }
0xc6: {  	(tm) =	ssettm $0x7FFFFFFF  }
0xc7: {  	_ =	shalt  }
tec
execute0_lowered:
.L_overlay_start_1:
0x0: {  	(tag) =	ssettag $0x1  }
0x1: {  	s1 =	rddreg [dreg:$0x0]  }
0x2: {  	s0 =	rddreg [dreg:$0x1]  }
0x3: {  	s2 =	rddreg [dreg:$0x2]  }
0x4: {  	s4 =	rddreg [dreg:$0x3]  }
0x5: {  	s5 =	rddreg [dreg:$0x4]  }
0x6: {  	s6 =	srdreg.scid;
	s3 =	stileid.u32  }
0x7: {  	s19 =	simm.s32 $0x40;
	s20 =	simm.s32 $0x80;
	s21 =	simm.s32 $0x14C80  }
0x8: {  	s28 =	simm.s32 $0x50;
	s30 =	simm.s32 $0x14280;
	s31 =	simm.s32 $0x1  }
0x9: {  	s7 =	sand.u32 $0x1, s6;
	s6 =	simm.s32 $0x0;
	s9 =	smul.u32 $0x9C4, s3  }
0xa: {  	s11 =	smul.u32 $0x2800, s3;
	s15 =	sor.u32 $0x70, s3;
	s8 =	ssub.s32 $0x2, s7  }
0xb: {  	[smem:$0x7FF] =	sst s6;
	s7 =	sshll.u32 s7, $0x6;
	s10 =	sshrl.u32 s8, $0x1  }
0xc: {  	s24 =	smul.u32 $0x2800, s15;
	s12 =	ssub.s32 s8, s10;
	s8 =	sadd.s32 s0, s9  }
0xd: {  	_ =	strace $0x80000047;
	s14 =	sshrl.u32 s11, $0x2;
	s9 =	sadd.s32 $0x9E00, s8  }
0xe: {  	s10 =	sadd.s32 s14, s5;
	s22 =	smax.u32 s12, $0x1;
	[dreg:$0x6] =	wrdreg s9  }
0xf: {  	p0 =	sgt.u32 s15, $0x7C;
	s23 =	sadd.s32 $0xA000, s10;
	[dreg:$0x7] =	wrdreg s22  }
0x10: {  	s0 =	simm.s32 $0x3;
	s25 =	sadd.s32 $0x14000, s10;
	[dreg:$0x8] =	wrdreg s23  }
.Ltmp0:
0x11: {  	s26 =	sadd.s32 $0x1E000, s10;
	[dreg:$0x9] =	wrdreg s25;
	(pc) =	sbr.rel .LBB2_1-.Ltmp0, $4  }
0x12: {  	s29 =	sadd.s32 $0x28000, s10;
	s16 =	sadd.s32 $0x32000, s10;
	[dreg:$0xa] =	wrdreg s26  }
0x13: {  	s17 =	sadd.s32 $0x3C000, s10;
	[dreg:$0xb] =	wrdreg s29;
	s9 =	sshrl.u32 s24, $0x2  }
0x14: {  	s22 =	simm.s32 $0x5;
	s23 =	simm.s32 $0x13880;
	s24 =	simm.s32 $0x4  }
0x15: {  	v0 =	vimm.bf16 $0.0e+00;
	s25 =	simm.s32 $0x9C40;
	s26 =	simm.s32 $0x2;
	s18 =	sadd.s32 s9, s5  }
.LBB2_17:
0x16: {  	s6 =	sadd.s32 $0x1, s6;
	s9 =	rddreg [dreg:$0x7]  }
0x17: {  	p1 =	sne.s32 s6, s9  }
.Ltmp1:
0x18: {  	_ = 	snop;
	(pc) =	sbr.rel @!p1 .LBB2_18-.Ltmp1, $1  }
0x19: {  	_ =	sdelay $0x3  }
.LBB2_1:
.Ltmp2:
0x1a: {  	(pc) =	sbr.rel .LBB2_2-.Ltmp2, $2  }
0x1b: {  	_ =	sdelay $0x2  }
0x1c: {  	s29 =	simm.s32 $0x0  }
.LBB2_6:
0x1d: {  	s29 =	sadd.s32 $0x1, s29  }
0x1e: {  	p1 =	sne.s32 s29, $0x8  }
.Ltmp3:
0x1f: {  	_ = 	snop;
	(pc) =	sbr.rel @!p1 .LBB2_7-.Ltmp3, $1  }
0x20: {  	_ =	sdelay $0x3  }
.LBB2_2:
0x21: {  	s9 =	sshll.u32 s29, $0x4  }
0x22: {  	s9 =	sor.u32 s3, s9  }
0x23: {  	p1 =	sgt.u32 s9, $0x7C  }
.Ltmp4:
0x24: {  	_ = 	snop;
	(pc) =	sbr.rel @p1 .LBB2_6-.Ltmp4, $1  }
0x25: {  	_ =	sdelay $0x3  }
0x26: {  	s9 =	smul.u32 $0x2800, s9;
	_ =	sdelay $0x1  }
0x27: {  	s11 =	sor.u32 s7, s9  }
0x28: {  	s11 =	sshrl.u32 s11, $0x3  }
0x29: {  	s11 =	sadd.s32 s1, s11  }
0x2a: {  	[tilespmem:s21], [sflag:$0x5] =	stream.strided.gather [hbm4b:s11+s19], $0x1400, s20, s19, $0x38;
	[tilespmem:$0x16080] =	vst v63  }
0x2b: {  	_ =	swait.ge [sflag:s22], $0x1400  }
0x2c: {  	[sflag:s22] =	ssyncset.done $0x0  }
0x2d: {  	s11 =	simm.s32 $0x14D20;
	[sflag:s22] =	ssyncadd.s32 $0xFFFFEC00  }
0x2e: {  	v1 =	vld [tilespmem:s11+$0xFFFFFF60]  }
0x2f: {  	v2 =	vld [tilespmem:s11+$0xFFFFFF70];
	_ =	sdelay $0x4  }
0x30: {  	s12 =	simm.s32 $0x90;
	v1 =	vpack.i.f32.bf16 v2, v1  }
0x31: {  	[tilespmem:s12+$0x137F0] =	vst v1  }
0x32: {  	v1 =	vld [tilespmem:s11+$0xFFFFFF80]  }
0x33: {  	v2 =	vld [tilespmem:s11+$0xFFFFFF90];
	_ =	sdelay $0x4  }
0x34: {  	v1 =	vpack.i.f32.bf16 v2, v1  }
0x35: {  	[tilespmem:s12+$0x13800] =	vst v1  }
0x36: {  	v1 =	vld [tilespmem:s11+$0xFFFFFFA0]  }
0x37: {  	v2 =	vld [tilespmem:s11+$0xFFFFFFB0];
	_ =	sdelay $0x4  }
0x38: {  	v1 =	vpack.i.f32.bf16 v2, v1  }
0x39: {  	[tilespmem:s12+$0x13810] =	vst v1  }
0x3a: {  	v1 =	vld [tilespmem:s11+$0xFFFFFFC0]  }
0x3b: {  	v2 =	vld [tilespmem:s11+$0xFFFFFFD0];
	_ =	sdelay $0x4  }
0x3c: {  	v1 =	vpack.i.f32.bf16 v2, v1  }
0x3d: {  	[tilespmem:s12+$0x13820] =	vst v1  }
0x3e: {  	v1 =	vld [tilespmem:s11+$0xFFFFFFE0]  }
0x3f: {  	v2 =	vld [tilespmem:s11+$0xFFFFFFF0];
	_ =	sdelay $0x4  }
0x40: {  	v1 =	vpack.i.f32.bf16 v2, v1  }
0x41: {  	[tilespmem:s12+$0x13830] =	vst v1  }
0x42: {  	v1 =	vld [tilespmem:s11+$0x0]  }
0x43: {  	v2 =	vld [tilespmem:s11+$0x10];
	_ =	sdelay $0x4  }
0x44: {  	v1 =	vpack.i.f32.bf16 v2, v1  }
0x45: {  	[tilespmem:s12+$0x13840] =	vst v1  }
0x46: {  	v1 =	vld [tilespmem:s11+$0x20]  }
0x47: {  	v2 =	vld [tilespmem:s11+$0x30];
	_ =	sdelay $0x4  }
0x48: {  	v1 =	vpack.i.f32.bf16 v2, v1  }
0x49: {  	[tilespmem:s12+$0x13850] =	vst v1  }
0x4a: {  	v1 =	vld [tilespmem:s11+$0x40]  }
0x4b: {  	v2 =	vld [tilespmem:s11+$0x50];
	_ =	sdelay $0x4  }
0x4c: {  	v1 =	vpack.i.f32.bf16 v2, v1  }
0x4d: {  	[tilespmem:s12+$0x13860] =	vst v1  }
0x4e: {  	v1 =	vld [tilespmem:s11+$0x60]  }
0x4f: {  	s14 =	simm.s32 $0x4C0;
	s13 =	simm.s32 $0x14D20;
	v2 =	vld [tilespmem:s11+$0x70]  }
.LBB2_4:
0x50: {  	_ =	sdelay $0x2  }
0x51: {  	p1 =	sne.s32 s14, $0x27C0  }
0x52: {  	s11 =	sadd.s32 $0x140, s11;
	s15 =	smov.u32 s14;
	s14 =	sadd.s32 $0x280, s14;
	v1 =	vpack.i.f32.bf16 v2, v1  }
0x53: {  	[tilespmem:s12+$0x13870] =	vst v1  }
0x54: {  	v1 =	vld [tilespmem:s13+$0x80]  }
0x55: {  	v2 =	vld [tilespmem:s13+$0x90];
	s13 =	smov.u32 s11;
	_ =	sdelay $0x4  }
0x56: {  	v1 =	vpack.i.f32.bf16 v2, v1  }
0x57: {  	[tilespmem:s12+$0x13880] =	vst v1  }
0x58: {  	v1 =	vld [tilespmem:s11+$0xFFFFFF60]  }
0x59: {  	v2 =	vld [tilespmem:s11+$0xFFFFFF70];
	_ =	sdelay $0x4  }
0x5a: {  	s12 =	sshra.s32 s15, $0x2;
	v1 =	vpack.i.f32.bf16 v2, v1  }
0x5b: {  	[tilespmem:s12+$0x137F0] =	vst v1  }
0x5c: {  	v1 =	vld [tilespmem:s11+$0xFFFFFF80]  }
0x5d: {  	v2 =	vld [tilespmem:s11+$0xFFFFFF90];
	_ =	sdelay $0x4  }
0x5e: {  	v1 =	vpack.i.f32.bf16 v2, v1  }
0x5f: {  	[tilespmem:s12+$0x13800] =	vst v1  }
0x60: {  	v1 =	vld [tilespmem:s11+$0xFFFFFFA0]  }
0x61: {  	v2 =	vld [tilespmem:s11+$0xFFFFFFB0];
	_ =	sdelay $0x4  }
0x62: {  	v1 =	vpack.i.f32.bf16 v2, v1  }
0x63: {  	[tilespmem:s12+$0x13810] =	vst v1  }
0x64: {  	v1 =	vld [tilespmem:s11+$0xFFFFFFC0]  }
0x65: {  	v2 =	vld [tilespmem:s11+$0xFFFFFFD0];
	_ =	sdelay $0x4  }
0x66: {  	v1 =	vpack.i.f32.bf16 v2, v1  }
0x67: {  	[tilespmem:s12+$0x13820] =	vst v1  }
0x68: {  	v1 =	vld [tilespmem:s11+$0xFFFFFFE0]  }
0x69: {  	v2 =	vld [tilespmem:s11+$0xFFFFFFF0];
	_ =	sdelay $0x4  }
0x6a: {  	v1 =	vpack.i.f32.bf16 v2, v1  }
0x6b: {  	[tilespmem:s12+$0x13830] =	vst v1  }
0x6c: {  	v1 =	vld [tilespmem:s11+$0x0]  }
0x6d: {  	v2 =	vld [tilespmem:s11+$0x10];
	_ =	sdelay $0x4  }
0x6e: {  	v1 =	vpack.i.f32.bf16 v2, v1  }
0x6f: {  	[tilespmem:s12+$0x13840] =	vst v1  }
0x70: {  	v1 =	vld [tilespmem:s11+$0x20]  }
0x71: {  	v2 =	vld [tilespmem:s11+$0x30];
	_ =	sdelay $0x4  }
0x72: {  	v1 =	vpack.i.f32.bf16 v2, v1  }
0x73: {  	[tilespmem:s12+$0x13850] =	vst v1  }
0x74: {  	v1 =	vld [tilespmem:s11+$0x40]  }
0x75: {  	v2 =	vld [tilespmem:s11+$0x50];
	_ =	sdelay $0x3  }
.Ltmp5:
0x76: {  	(pc) =	sbr.rel @p1 .LBB2_4-.Ltmp5, $4  }
0x77: {  	v1 =	vpack.i.f32.bf16 v2, v1  }
0x78: {  	[tilespmem:s12+$0x13860] =	vst v1  }
0x79: {  	v1 =	vld [tilespmem:s11+$0x60]  }
0x7a: {  	v2 =	vld [tilespmem:s11+$0x70]  }
0x7b: {  	_ =	sdelay $0x3  }
0x7c: {  	v1 =	vpack.i.f32.bf16 v2, v1  }
0x7d: {  	[tilespmem:s12+$0x13870] =	vst v1  }
0x7e: {  	v1 =	vld [tilespmem:s13+$0x80]  }
0x7f: {  	v2 =	vld [tilespmem:s13+$0x90];
	_ =	sdelay $0x4  }
0x80: {  	s9 =	sshra.s32 s9, $0x2;
	v1 =	vpack.i.f32.bf16 v2, v1  }
.Ltmp6:
0x81: {  	s9 =	sadd.s32 s9, s4;
	[tilespmem:s12+$0x13880] =	vst v1;
	(pc) =	sbr.rel .LBB2_6-.Ltmp6, $4  }
0x82: {  	[spmem:s9] =	stream.linear.scatter [tilespmem:s23], [sflag:$0x4], $0xA00, $0x38;
	[tilespmem:$0x16080] =	vst v63  }
0x83: {  	_ =	swait.ge [sflag:s24], $0xA00  }
0x84: {  	[sflag:s24] =	ssyncset.done $0x0  }
0x85: {  	[sflag:s24] =	ssyncadd.s32 $0xFFFFF600  }
.LBB2_7:
0x86: {  	s9 =	simm.s32 $0x80;
	s11 =	simm.s32 $0x0  }
.LBB2_8:
0x87: {  	p1 =	sne.s32 s9, $0x2780;
	[tilespmem:s11+$0x13880] =	vst v0;
	s12 =	smov.u32 s9;
	s9 =	sadd.s32 $0x80, s9  }
.Ltmp7:
0x88: {  	[tilespmem:s11+$0x13890] =	vst v0;
	(pc) =	sbr.rel @p1 .LBB2_8-.Ltmp7, $2  }
0x89: {  	_ =	sdelay $0x2  }
0x8a: {  	s11 =	sshra.s32 s12, $0x2  }
0x8b: {  	[tilespmem:s11+$0x13880] =	vst v0  }
0x8c: {  	[tilespmem:s11+$0x13890] =	vst v0  }
0x8d: {  	[spmem:s10] =	stream.linear.scatter [tilespmem:s23], [sflag:$0x4], $0xA00, $0x38;
	[tilespmem:$0x16080] =	vst v63  }
0x8e: {  	_ =	swait.ge [sflag:s24], $0xA00  }
0x8f: {  	[sflag:s24] =	ssyncset.done $0x0  }
0x90: {  	s9 =	rddreg [dreg:$0x8];
	[sflag:s24] =	ssyncadd.s32 $0xFFFFF600  }
0x91: {  	[spmem:s9] =	stream.linear.scatter [tilespmem:s23], [sflag:$0x4], $0xA00, $0x38;
	[tilespmem:$0x16080] =	vst v63  }
0x92: {  	_ =	swait.ge [sflag:s24], $0xA00  }
0x93: {  	[sflag:s24] =	ssyncset.done $0x0  }
0x94: {  	s12 =	rddreg [dreg:$0x9];
	[sflag:s24] =	ssyncadd.s32 $0xFFFFF600  }
0x95: {  	[spmem:s12] =	stream.linear.scatter [tilespmem:s23], [sflag:$0x4], $0xA00, $0x38;
	[tilespmem:$0x16080] =	vst v63  }
0x96: {  	_ =	swait.ge [sflag:s24], $0xA00  }
0x97: {  	[sflag:s24] =	ssyncset.done $0x0  }
0x98: {  	s13 =	rddreg [dreg:$0xa];
	[sflag:s24] =	ssyncadd.s32 $0xFFFFF600  }
0x99: {  	[spmem:s13] =	stream.linear.scatter [tilespmem:s23], [sflag:$0x4], $0xA00, $0x38;
	[tilespmem:$0x16080] =	vst v63  }
0x9a: {  	_ =	swait.ge [sflag:s24], $0xA00  }
0x9b: {  	[sflag:s24] =	ssyncset.done $0x0  }
0x9c: {  	s14 =	rddreg [dreg:$0xb];
	[sflag:s24] =	ssyncadd.s32 $0xFFFFF600  }
0x9d: {  	[spmem:s14] =	stream.linear.scatter [tilespmem:s23], [sflag:$0x4], $0xA00, $0x38;
	[tilespmem:$0x16080] =	vst v63  }
0x9e: {  	_ =	swait.ge [sflag:s24], $0xA00  }
0x9f: {  	[sflag:s24] =	ssyncset.done $0x0  }
0xa0: {  	[sflag:s24] =	ssyncadd.s32 $0xFFFFF600  }
0xa1: {  	[spmem:s16] =	stream.linear.scatter [tilespmem:s23], [sflag:$0x4], $0xA00, $0x38;
	[tilespmem:$0x16080] =	vst v63  }
0xa2: {  	_ =	swait.ge [sflag:s24], $0xA00  }
0xa3: {  	[sflag:s24] =	ssyncset.done $0x0  }
0xa4: {  	[sflag:s24] =	ssyncadd.s32 $0xFFFFF600  }
0xa5: {  	[spmem:s17] =	stream.linear.scatter [tilespmem:s23], [sflag:$0x4], $0xA00, $0x38;
	[tilespmem:$0x16080] =	vst v63  }
0xa6: {  	_ =	swait.ge [sflag:s24], $0xA00  }
0xa7: {  	[sflag:s24] =	ssyncset.done $0x0  }
0xa8: {  	s9 =	simm.s32 @!p0 $0x13880;
	[sflag:s24] =	ssyncadd.s32 $0xFFFFF600  }
0xa9: {  	[spmem:s18] =	stream.linear.scatter @!p0 [tilespmem:s9], [sflag:$0x4], $0xA00, $0x38;
	[tilespmem:$0x16080] =	vst v63  }
0xaa: {  	s9 =	simm.s32 @!p0 $0x4  }
0xab: {  	_ =	swait.ge @!p0 [sflag:s9], $0xA00  }
0xac: {  	[sflag:s9] =	ssyncset.done @!p0 $0x0  }
0xad: {  	s15 =	simm.s32 $0x0;
	s29 =	rddreg [dreg:$0x6];
	[sflag:s9] =	ssyncadd.s32 @!p0 $0xFFFFF600  }
0xae: {  	[tilespmem:s25], [sflag:$0x4] =	stream.linear.gather [hbm4b:s29+s15], $0x4E20, $0x38;
	[tilespmem:$0x16080] =	vst v63  }
0xaf: {  	_ =	swait.ge [sflag:s24], $0x4E20  }
0xb0: {  	[sflag:s24] =	ssyncset.done $0x0  }
0xb1: {  	s12 =	simm.s32 $0xEA60;
	[sflag:s24] =	ssyncadd.s32 $0xFFFFB1E0  }
0xb2: {  	[tilespmem:s12], [sflag:$0x4] =	stream.linear.gather [hbm4b:s8+s15], $0x4E20, $0x38;
	[tilespmem:$0x16080] =	vst v63  }
0xb3: {  	_ =	swait.ge [sflag:s24], $0x4E20  }
0xb4: {  	[sflag:s24] =	ssyncset.done $0x0  }
0xb5: {  	[sflag:s24] =	ssyncadd.s32 $0xFFFFB1E0  }
0xb6: {  	[bflag:$0x0] =	sbarrier.arrive $0xFFFF  }
0xb7: {  	[tilespmem:s23], [sflag:$0x1] =	stream.indirect.gather [spmem:s4], $0x20, s25, s28, $0xb8;
	[tilespmem:$0x16080] =	vst v63  }
0xb8: {  	s13 =	simm.s32 $0x9C90  }
0xb9: {  	[tilespmem:s30], [sflag:$0x2] =	stream.indirect.gather [spmem:s4], $0x20, s13, s28, $0xb8;
	[tilespmem:$0x16080] =	vst v63  }
0xba: {  	_ =	swait.ge [sflag:s31], $0xA00  }
0xbb: {  	[sflag:s31] =	ssyncset.done $0x0  }
0xbc: {  	s14 =	simm.s32 $0xEA60;
	[sflag:s31] =	ssyncadd.s32 $0xFFFFF600  }
0xbd: {  	[spmem:s5] =	stream.indirect.scatter.add.bf16 [tilespmem:s23], [sflag:$0x3], $0x20, s14, s28, $0xb8;
	[tilespmem:$0x16080] =	vst v63  }
0xbe: {  	_ =	swait.ge [sflag:s0], $0xA00  }
0xbf: {  	[sflag:s0] =	ssyncset.done $0x0  }
0xc0: {  	s15 =	simm.s32 $0x9CE0;
	[sflag:s0] =	ssyncadd.s32 $0xFFFFF600  }
0xc1: {  	[tilespmem:s23], [sflag:$0x1] =	stream.indirect.gather [spmem:s4], $0x20, s15, s28, $0xb8;
	[tilespmem:$0x16080] =	vst v63  }
0xc2: {  	_ =	swait.ge [sflag:s26], $0xA00  }
0xc3: {  	[sflag:s26] =	ssyncset.done $0x0  }
0xc4: {  	s29 =	simm.s32 $0xEAB0;
	[sflag:s26] =	ssyncadd.s32 $0xFFFFF600  }
0xc5: {  	[spmem:s5] =	stream.indirect.scatter.add.bf16 [tilespmem:s30], [sflag:$0x3], $0x20, s29, s28, $0xb8;
	[tilespmem:$0x16080] =	vst v63  }
0xc6: {  	_ =	swait.ge [sflag:s0], $0xA00  }
0xc7: {  	[sflag:s0] =	ssyncset.done $0x0  }
0xc8: {  	s11 =	simm.s32 $0x9D30;
	s9 =	simm.s32 $0x280;
	[sflag:s0] =	ssyncadd.s32 $0xFFFFF600  }
.LBB2_10:
0xc9: {  	[tilespmem:s30], [sflag:$0x2] =	stream.indirect.gather [spmem:s4], $0x20, s11, s28, $0xb8;
	[tilespmem:$0x16080] =	vst v63  }
0xca: {  	s11 =	smov.u32 s9  }
0xcb: {  	p1 =	sne.s32 s9, $0x13380;
	s9 =	sadd.s32 $0x280, s9;
	_ =	swait.ge [sflag:s31], $0xA00  }
0xcc: {  	s11 =	sshra.s32 s11, $0x2;
	[sflag:s31] =	ssyncset.done $0x0  }
0xcd: {  	s12 =	sadd.s32 $0xEA60, s11;
	[sflag:s31] =	ssyncadd.s32 $0xFFFFF600  }
0xce: {  	[spmem:s5] =	stream.indirect.scatter.add.bf16 [tilespmem:s23], [sflag:$0x3], $0x20, s12, s28, $0xb8;
	[tilespmem:$0x16080] =	vst v63  }
0xcf: {  	_ =	swait.ge [sflag:s0], $0xA00  }
0xd0: {  	[sflag:s0] =	ssyncset.done $0x0  }
0xd1: {  	s12 =	sadd.s32 $0x9CE0, s11;
	[sflag:s0] =	ssyncadd.s32 $0xFFFFF600  }
0xd2: {  	[tilespmem:s23], [sflag:$0x1] =	stream.indirect.gather [spmem:s4], $0x20, s12, s28, $0xb8;
	[tilespmem:$0x16080] =	vst v63  }
0xd3: {  	_ =	swait.ge [sflag:s26], $0xA00  }
0xd4: {  	[sflag:s26] =	ssyncset.done $0x0  }
.Ltmp8:
0xd5: {  	s12 =	sadd.s32 $0xEAB0, s11;
	[sflag:s26] =	ssyncadd.s32 $0xFFFFF600;
	(pc) =	sbr.rel @p1 .LBB2_10-.Ltmp8, $4  }
0xd6: {  	[spmem:s5] =	stream.indirect.scatter.add.bf16 [tilespmem:s30], [sflag:$0x3], $0x20, s12, s28, $0xb8;
	[tilespmem:$0x16080] =	vst v63  }
0xd7: {  	_ =	swait.ge [sflag:s0], $0xA00  }
0xd8: {  	[sflag:s0] =	ssyncset.done $0x0  }
0xd9: {  	s11 =	sadd.s32 $0x9D30, s11;
	[sflag:s0] =	ssyncadd.s32 $0xFFFFF600  }
0xda: {  	[tilespmem:s30], [sflag:$0x2] =	stream.indirect.gather [spmem:s4], $0x20, s11, s28, $0xb8;
	[tilespmem:$0x16080] =	vst v63  }
0xdb: {  	_ =	swait.ge [sflag:s31], $0xA00  }
0xdc: {  	[sflag:s31] =	ssyncset.done $0x0  }
0xdd: {  	s9 =	simm.s32 $0x137E0;
	[sflag:s31] =	ssyncadd.s32 $0xFFFFF600  }
0xde: {  	[spmem:s5] =	stream.indirect.scatter.add.bf16 [tilespmem:s23], [sflag:$0x3], $0x20, s9, s28, $0xb8;
	[tilespmem:$0x16080] =	vst v63  }
0xdf: {  	_ =	swait.ge [sflag:s0], $0xA00  }
0xe0: {  	[sflag:s0] =	ssyncset.done $0x0  }
0xe1: {  	[sflag:s0] =	ssyncadd.s32 $0xFFFFF600  }
0xe2: {  	_ =	swait.ge [sflag:s26], $0xA00  }
0xe3: {  	[sflag:s26] =	ssyncset.done $0x0  }
0xe4: {  	s15 =	simm.s32 $0x13830;
	[sflag:s26] =	ssyncadd.s32 $0xFFFFF600  }
0xe5: {  	[spmem:s5] =	stream.indirect.scatter.add.bf16 [tilespmem:s30], [sflag:$0x3], $0x20, s15, s28, $0xb8;
	[tilespmem:$0x16080] =	vst v63  }
.Ltmp9:
0xe6: {  	_ =	swait.ge [sflag:s0], $0xA00;
	(pc) =	sbr.rel .LBB2_12-.Ltmp9, $4  }
0xe7: {  	[sflag:s0] =	ssyncset.done $0x0  }
0xe8: {  	[sflag:s0] =	ssyncadd.s32 $0xFFFFF600  }
0xe9: {  	[bflag:$0x0] =	sbarrier.arrive $0xFFFF  }
0xea: {  	s29 =	simm.s32 $0x0  }
.LBB2_16:
0xeb: {  	s29 =	sadd.s32 $0x1, s29  }
0xec: {  	p1 =	sne.s32 s29, $0x8  }
.Ltmp10:
0xed: {  	_ = 	snop;
	(pc) =	sbr.rel @!p1 .LBB2_17-.Ltmp10, $1  }
0xee: {  	_ =	sdelay $0x3  }
.LBB2_12:
0xef: {  	s9 =	sshll.u32 s29, $0x4  }
0xf0: {  	s9 =	sor.u32 s3, s9  }
0xf1: {  	p1 =	sgt.u32 s9, $0x7C  }
.Ltmp11:
0xf2: {  	_ = 	snop;
	(pc) =	sbr.rel @p1 .LBB2_16-.Ltmp11, $1  }
0xf3: {  	_ =	sdelay $0x3  }
0xf4: {  	s9 =	smul.u32 $0x2800, s9;
	_ =	sdelay $0x1  }
0xf5: {  	s11 =	sshra.s32 s9, $0x2  }
0xf6: {  	s11 =	sadd.s32 s11, s5  }
0xf7: {  	[tilespmem:s23], [sflag:$0x5] =	stream.linear.gather [spmem:s11], $0xA00, $0x38;
	[tilespmem:$0x16080] =	vst v63  }
0xf8: {  	_ =	swait.ge [sflag:s22], $0xA00  }
0xf9: {  	[sflag:s22] =	ssyncset.done $0x0  }
0xfa: {  	s12 =	simm.s32 $0x90;
	[sflag:s22] =	ssyncadd.s32 $0xFFFFF600  }
0xfb: {  	v1 =	vld [tilespmem:s12+$0x137F0];
	_ =	sdelay $0x4  }
0xfc: {  	s11 =	simm.s32 $0x14D20;
	v2 =	vunpack.i.l.bf16.f32 v1  }
0xfd: {  	v1 =	vunpack.i.u.bf16.f32 v1;
	[tilespmem:s11+$0xFFFFFF60] =	vst v2  }
0xfe: {  	[tilespmem:s11+$0xFFFFFF70] =	vst v1  }
0xff: {  	v1 =	vld [tilespmem:s12+$0x13800];
	_ =	sdelay $0x4  }
0x100: {  	v2 =	vunpack.i.l.bf16.f32 v1  }
0x101: {  	v1 =	vunpack.i.u.bf16.f32 v1;
	[tilespmem:s11+$0xFFFFFF80] =	vst v2  }
0x102: {  	[tilespmem:s11+$0xFFFFFF90] =	vst v1  }
0x103: {  	v1 =	vld [tilespmem:s12+$0x13810];
	_ =	sdelay $0x4  }
0x104: {  	v2 =	vunpack.i.l.bf16.f32 v1  }
0x105: {  	v1 =	vunpack.i.u.bf16.f32 v1;
	[tilespmem:s11+$0xFFFFFFA0] =	vst v2  }
0x106: {  	[tilespmem:s11+$0xFFFFFFB0] =	vst v1  }
0x107: {  	v1 =	vld [tilespmem:s12+$0x13820];
	_ =	sdelay $0x4  }
0x108: {  	v2 =	vunpack.i.l.bf16.f32 v1  }
0x109: {  	v1 =	vunpack.i.u.bf16.f32 v1;
	[tilespmem:s11+$0xFFFFFFC0] =	vst v2  }
0x10a: {  	[tilespmem:s11+$0xFFFFFFD0] =	vst v1  }
0x10b: {  	v1 =	vld [tilespmem:s12+$0x13830];
	_ =	sdelay $0x4  }
0x10c: {  	v2 =	vunpack.i.l.bf16.f32 v1  }
0x10d: {  	v1 =	vunpack.i.u.bf16.f32 v1;
	[tilespmem:s11+$0xFFFFFFE0] =	vst v2  }
0x10e: {  	[tilespmem:s11+$0xFFFFFFF0] =	vst v1  }
0x10f: {  	v1 =	vld [tilespmem:s12+$0x13840];
	_ =	sdelay $0x4  }
0x110: {  	v2 =	vunpack.i.l.bf16.f32 v1  }
0x111: {  	v1 =	vunpack.i.u.bf16.f32 v1;
	[tilespmem:s11+$0x0] =	vst v2  }
0x112: {  	[tilespmem:s11+$0x10] =	vst v1  }
0x113: {  	v1 =	vld [tilespmem:s12+$0x13850];
	_ =	sdelay $0x4  }
0x114: {  	v2 =	vunpack.i.l.bf16.f32 v1  }
0x115: {  	v1 =	vunpack.i.u.bf16.f32 v1;
	[tilespmem:s11+$0x20] =	vst v2  }
0x116: {  	[tilespmem:s11+$0x30] =	vst v1  }
0x117: {  	v1 =	vld [tilespmem:s12+$0x13860];
	_ =	sdelay $0x4  }
0x118: {  	v2 =	vunpack.i.l.bf16.f32 v1  }
0x119: {  	v1 =	vunpack.i.u.bf16.f32 v1;
	[tilespmem:s11+$0x40] =	vst v2  }
0x11a: {  	[tilespmem:s11+$0x50] =	vst v1  }
0x11b: {  	s14 =	simm.s32 $0x4C0;
	s13 =	simm.s32 $0x14D20;
	v1 =	vld [tilespmem:s12+$0x13870]  }
.LBB2_14:
0x11c: {  	_ =	sdelay $0x2  }
0x11d: {  	p1 =	sne.s32 s14, $0x27C0  }
0x11e: {  	s11 =	sadd.s32 $0x140, s11;
	s15 =	smov.u32 s14;
	s14 =	sadd.s32 $0x280, s14;
	v2 =	vunpack.i.u.bf16.f32 v1;
	v1 =	vunpack.i.l.bf16.f32 v1  }
0x11f: {  	[tilespmem:s13+$0x60] =	vst v1  }
0x120: {  	[tilespmem:s13+$0x70] =	vst v2  }
0x121: {  	v1 =	vld [tilespmem:s12+$0x13880];
	_ =	sdelay $0x4  }
0x122: {  	v2 =	vunpack.i.u.bf16.f32 v1;
	v1 =	vunpack.i.l.bf16.f32 v1  }
0x123: {  	[tilespmem:s13+$0x80] =	vst v1  }
0x124: {  	s12 =	sshra.s32 s15, $0x2;
	[tilespmem:s13+$0x90] =	vst v2;
	s13 =	smov.u32 s11  }
0x125: {  	v1 =	vld [tilespmem:s12+$0x137F0];
	_ =	sdelay $0x4  }
0x126: {  	v2 =	vunpack.i.u.bf16.f32 v1;
	v1 =	vunpack.i.l.bf16.f32 v1  }
0x127: {  	[tilespmem:s11+$0xFFFFFF60] =	vst v1  }
0x128: {  	[tilespmem:s11+$0xFFFFFF70] =	vst v2  }
0x129: {  	v1 =	vld [tilespmem:s12+$0x13800];
	_ =	sdelay $0x4  }
0x12a: {  	v2 =	vunpack.i.u.bf16.f32 v1;
	v1 =	vunpack.i.l.bf16.f32 v1  }
0x12b: {  	[tilespmem:s11+$0xFFFFFF80] =	vst v1  }
0x12c: {  	[tilespmem:s11+$0xFFFFFF90] =	vst v2  }
0x12d: {  	v1 =	vld [tilespmem:s12+$0x13810];
	_ =	sdelay $0x4  }
0x12e: {  	v2 =	vunpack.i.u.bf16.f32 v1;
	v1 =	vunpack.i.l.bf16.f32 v1  }
0x12f: {  	[tilespmem:s11+$0xFFFFFFA0] =	vst v1  }
0x130: {  	[tilespmem:s11+$0xFFFFFFB0] =	vst v2  }
0x131: {  	v1 =	vld [tilespmem:s12+$0x13820];
	_ =	sdelay $0x4  }
0x132: {  	v2 =	vunpack.i.u.bf16.f32 v1;
	v1 =	vunpack.i.l.bf16.f32 v1  }
0x133: {  	[tilespmem:s11+$0xFFFFFFC0] =	vst v1  }
0x134: {  	[tilespmem:s11+$0xFFFFFFD0] =	vst v2  }
0x135: {  	v1 =	vld [tilespmem:s12+$0x13830];
	_ =	sdelay $0x4  }
0x136: {  	v2 =	vunpack.i.u.bf16.f32 v1;
	v1 =	vunpack.i.l.bf16.f32 v1  }
0x137: {  	[tilespmem:s11+$0xFFFFFFE0] =	vst v1  }
0x138: {  	[tilespmem:s11+$0xFFFFFFF0] =	vst v2  }
0x139: {  	v1 =	vld [tilespmem:s12+$0x13840];
	_ =	sdelay $0x4  }
0x13a: {  	v2 =	vunpack.i.u.bf16.f32 v1;
	v1 =	vunpack.i.l.bf16.f32 v1  }
0x13b: {  	[tilespmem:s11+$0x0] =	vst v1  }
0x13c: {  	[tilespmem:s11+$0x10] =	vst v2  }
0x13d: {  	v1 =	vld [tilespmem:s12+$0x13850];
	_ =	sdelay $0x4  }
0x13e: {  	v2 =	vunpack.i.u.bf16.f32 v1;
	v1 =	vunpack.i.l.bf16.f32 v1  }
0x13f: {  	[tilespmem:s11+$0x20] =	vst v1  }
0x140: {  	[tilespmem:s11+$0x30] =	vst v2  }
0x141: {  	v1 =	vld [tilespmem:s12+$0x13860];
	_ =	sdelay $0x3  }
.Ltmp12:
0x142: {  	(pc) =	sbr.rel @p1 .LBB2_14-.Ltmp12, $4  }
0x143: {  	v2 =	vunpack.i.u.bf16.f32 v1;
	v1 =	vunpack.i.l.bf16.f32 v1  }
0x144: {  	[tilespmem:s11+$0x40] =	vst v1  }
0x145: {  	[tilespmem:s11+$0x50] =	vst v2  }
0x146: {  	v1 =	vld [tilespmem:s12+$0x13870]  }
0x147: {  	_ =	sdelay $0x3  }
0x148: {  	v2 =	vunpack.i.l.bf16.f32 v1  }
0x149: {  	v1 =	vunpack.i.u.bf16.f32 v1;
	[tilespmem:s13+$0x60] =	vst v2  }
0x14a: {  	[tilespmem:s13+$0x70] =	vst v1  }
0x14b: {  	v1 =	vld [tilespmem:s12+$0x13880];
	_ =	sdelay $0x4  }
0x14c: {  	s9 =	sor.u32 s7, s9;
	v2 =	vunpack.i.l.bf16.f32 v1  }
0x14d: {  	s9 =	sshrl.u32 s9, $0x3;
	v1 =	vunpack.i.u.bf16.f32 v1;
	[tilespmem:s13+$0x80] =	vst v2  }
.Ltmp13:
0x14e: {  	s9 =	sadd.s32 s2, s9;
	[tilespmem:s13+$0x90] =	vst v1;
	(pc) =	sbr.rel .LBB2_16-.Ltmp13, $4  }
0x14f: {  	[hbm4b:s9+s19] =	stream.strided.scatter [tilespmem:s21], [sflag:$0x4], $0x1400, s20, s19, $0x38;
	[tilespmem:$0x16080] =	vst v63  }
0x150: {  	_ =	swait.ge [sflag:s24], $0x1400  }
0x151: {  	[sflag:s24] =	ssyncset.done $0x0  }
0x152: {  	[sflag:s24] =	ssyncadd.s32 $0xFFFFEC00  }
.LBB2_18:
0x153: {  	_ =	sfence.sel $0x180000  }
0x154: {  	[bflag:$0x0] =	sbarrier.arrive $0xFFFF  }
0x155: {  	_ =	strace $0x90000047  }
0x156: {  	[bflag:$0x2] =	sbarrier.arrive $0xFFFF  }
0x157: {  	p0 =	sne.s32 s3, $0x0;
	s0 =	rddreg [dreg:$0x5]  }
0x158: {  	s0 =	sadd.s32 @!p0 $0x100000, s0  }
0x159: {  	[sflag:s0] =	ssyncadd.tile.s32 @!p0 $0x1;
	_ =	shalt  }
.Lfunc_end2:
_tile_overlayer_lowered:
.L_overlay_start_2:
0x15a: {  	(tag) =	ssettag $0x2  }
0x15b: {  	s0 =	rddreg [dreg:$0x0];
	s2 =	stileid.u32  }
0x15c: {  	s1 =	rddreg [dreg:$0x1];
	p0 =	sne.s32 s2, $0x0  }
0x15d: {  	s3 =	rddreg [dreg:$0x2];
	[bflag:$0x3] =	sbarrier.arrive $0xFFFF;
	s2 =	simm.s32 @!p0 $0x1C04  }
0x15e: {  	[timem:s3], [sflag:s2] =	dma.local @!p0 [hbm:s0], s1  }
0x15f: {  	s0 =	simm.s32 @!p0 $0x4  }
0x160: {  	_ =	swait.ge @!p0 [sflag:s0], s1  }
0x161: {  	s1 =	ssub.s32 @!p0 $0x0, s1;
	[sflag:s0] =	ssyncset.done @!p0 $0x0  }
0x162: {  	[sflag:s0] =	ssyncadd.s32 @!p0 s1  }
0x163: {  	[bflag:$0x3] =	sbarrier.arrive $0xFFFF  }
0x164: {  	_ =	shalt  }

</sc_bundles>
